<compile_context>
chip_gen: v7x
topology: tpu7x:2x2x1
jax: 0.10.2.dev20260603
libtpu: 0.0.44.dev20260713+nightly
codegen_flags: <defaults>
</compile_context>

<pallas_src>
import functools

import jax
import jax.numpy as jnp
from jax import lax
from jax.experimental import pallas as pl
from jax.experimental.pallas import tpu as pltpu
from jax.experimental.pallas import tpu_sc as plsc

_BS, _NQ, _NC, _NT = 16, 500, 80, 100
_ALPHA, _GAMMA = 0.25, 2.0
_CLASS_W, _L1_W, _GIOU_W = 2.0, 5.0, 2.0
_BIG = 1e30
_NQP = 512
_NTP = 128


def _focal_pn(logits):
    p = 1.0 / (1.0 + jnp.exp(-logits))
    neg = (1.0 - _ALPHA) * (p * p) * (-jnp.log(1.0 - p + 1e-08))
    pos = _ALPHA * ((1.0 - p) * (1.0 - p)) * (-jnp.log(p + 1e-08))
    return pos - neg


def _pair_costs(A, An, ids_row, tgtT, tgtnT, n_cls_lanes):
    pn = _focal_pn
    ax0, ay0 = An[:, 0:1], An[:, 1:2]
    ax1, ay1 = An[:, 2:3], An[:, 3:4]
    tx0n, ty0n = tgtnT[0:1, :], tgtnT[1:2, :]
    tx1n, ty1n = tgtnT[2:3, :], tgtnT[3:4, :]
    cost_bbox = (((jnp.abs(ax0 - tx0n) + jnp.abs(ay0 - ty0n))
                  + jnp.abs(ax1 - tx1n)) + jnp.abs(ay1 - ty1n))

    bx0, by0 = A[:, 0:1], A[:, 1:2]
    bx1, by1 = A[:, 2:3], A[:, 3:4]
    tx0, ty0 = tgtT[0:1, :], tgtT[1:2, :]
    tx1, ty1 = tgtT[2:3, :], tgtT[3:4, :]
    area1 = (bx1 - bx0) * (by1 - by0)
    area2 = (tx1 - tx0) * (ty1 - ty0)
    ltx = jnp.maximum(bx0, tx0)
    lty = jnp.maximum(by0, ty0)
    rbx = jnp.minimum(bx1, tx1)
    rby = jnp.minimum(by1, ty1)
    wx = jnp.maximum(rbx - ltx, 0.0)
    wy = jnp.maximum(rby - lty, 0.0)
    inter = wx * wy
    union = area1 + area2 - inter
    iou = inter / union
    ltx2 = jnp.minimum(bx0, tx0)
    lty2 = jnp.minimum(by0, ty0)
    rbx2 = jnp.maximum(bx1, tx1)
    rby2 = jnp.maximum(by1, ty1)
    wx2 = jnp.maximum(rbx2 - ltx2, 0.0)
    wy2 = jnp.maximum(rby2 - lty2, 0.0)
    area = wx2 * wy2
    giou = iou - (area - union) / area
    cost_giou = -giou
    return cost_bbox, cost_giou


def _cost_kernel(logits_ref, boxes_ref, isrow_ref, ids_ref, tgtT_ref,
                 tgtisT_ref, c_ref):
    R = logits_ref.shape[0]
    T = ids_ref.shape[1]
    pn = _focal_pn(logits_ref[...])
    ids = ids_ref[0:1, :]
    cls_iota = lax.broadcasted_iota(jnp.int32, (_NC, T), 0)
    oh = (cls_iota == ids).astype(jnp.float32)
    cost_class = jnp.zeros((R, T), jnp.float32)
    for c in range(_NC):
        cost_class = jnp.where(ids == c, pn[:, c:c + 1], cost_class)
    A = boxes_ref[...]
    An = A / isrow_ref[...]
    tgtT = tgtT_ref[...]
    tgtnT = tgtT / tgtisT_ref[...]
    cost_bbox, cost_giou = _pair_costs(A, An, ids, tgtT, tgtnT, T)
    _TERM = 'class'
    if _TERM == 'class':
        c_ref[...] = jnp.broadcast_to(_CLASS_W * cost_class, c_ref.shape)
    elif _TERM == 'bbox':
        c_ref[...] = jnp.broadcast_to(_L1_W * cost_bbox, c_ref.shape)
    elif _TERM == 'giou':
        c_ref[...] = jnp.broadcast_to(_GIOU_W * cost_giou, c_ref.shape)
    else:
        c_ref[...] = _L1_W * cost_bbox + _CLASS_W * cost_class + _GIOU_W * cost_giou


def _diag_kernel(logits_ref, boxes_ref, isrow_ref, ids_ref, tgtT_ref,
                 tgtisT_ref, cd_ref):
    pn = _focal_pn(logits_ref[...])
    ids = ids_ref[0, 0:1, :]
    cls_iota = lax.broadcasted_iota(jnp.int32, (_NC, _NTP), 0)
    oh = (cls_iota == ids).astype(jnp.float32)
    cost_class = lax.dot_general(
        pn, oh, (((1,), (0,)), ((), ())),
        precision=lax.Precision.HIGHEST,
        preferred_element_type=jnp.float32)
    A = boxes_ref[...]
    An = A / isrow_ref[...]
    tgtT = tgtT_ref[0]
    tgtnT = tgtT / tgtisT_ref[0]
    cost_bbox, cost_giou = _pair_costs(A, An, ids, tgtT, tgtnT, _NTP)
    cd = _L1_W * cost_bbox + _CLASS_W * cost_class + _GIOU_W * cost_giou
    rowi = lax.broadcasted_iota(jnp.int32, (_NQP, _NTP), 0)
    lanei = lax.broadcasted_iota(jnp.int32, (_NQP, _NTP), 1)
    cd_ref[0] = jnp.where((rowi >= _NQ) | (lanei >= _NT), _BIG, cd)


def _greedy_kernel(cd_ref, rows_ref, cols_ref, cur_ref):
    cur_ref[...] = cd_ref[0]
    lanei = lax.broadcasted_iota(jnp.int32, (1, _NTP), 1)
    flat = (lax.broadcasted_iota(jnp.int32, (_NQP, _NTP), 0) * _NTP
            + lax.broadcasted_iota(jnp.int32, (_NQP, _NTP), 1))

    def body(t, state):
        rowsv, colsv, colmask = state
        vals = cur_ref[...] + colmask
        m = jnp.min(vals)
        idx = jnp.min(jnp.where(vals == m, flat, jnp.int32(2 ** 30)))
        i = idx // _NTP
        j = idx - i * _NTP
        cur_ref[pl.ds(i, 1), :] = jnp.full((1, _NTP), _BIG, jnp.float32)
        colmask = jnp.where(lanei == j, _BIG, colmask)
        rowsv = jnp.where(lanei == t, i, rowsv)
        colsv = jnp.where(lanei == t, j, colsv)
        return rowsv, colsv, colmask

    z = jnp.zeros((1, _NTP), jnp.int32)
    rowsv, colsv, _ = lax.fori_loop(
        0, _NT, body, (z, z, jnp.zeros((1, _NTP), jnp.float32)))
    rows_ref[...] = rowsv.reshape(1, 1, _NTP)
    cols_ref[...] = colsv.reshape(1, 1, _NTP)


_REMOVED = 3e30
_NCHUNK = _NQP // 16
_CCHUNK = _NTP // 16


def _sc_greedy_body(cd_hbm, rows_hbm, cols_hbm, blk, rowmin, rowargmin,
                    colmask, rowsv, colsv):
    wid = lax.axis_index("s") * 2 + lax.axis_index("c")
    iota16 = lax.iota(jnp.int32, 16)
    lane0 = iota16 == 0

    def _scat1(ref, pos, val):
        base = (pos // 16) * 16
        lane = pos - base
        v = ref[pl.ds(base, 16)]
        ref[pl.ds(base, 16)] = jnp.where(iota16 == lane,
                                         jnp.full((16,), val, ref.dtype), v)

    def _vmin(v):
        for d in (1, 2, 4, 8):
            v = jnp.minimum(v, v.at[iota16 ^ d].get(mode="promise_in_bounds"))
        return v

    def _row_scan(r):
        best = blk[r, pl.ds(0, 16)] + colmask[pl.ds(0, 16)]
        bidx = iota16
        for k in range(1, _CCHUNK):
            v = blk[r, pl.ds(k * 16, 16)] + colmask[pl.ds(k * 16, 16)]
            lt = v < best
            best = jnp.where(lt, v, best)
            bidx = jnp.where(lt, iota16 + k * 16, bidx)
        m = _vmin(best)
        jn = _vmin(jnp.where(best == m, bidx, jnp.int32(2 ** 30)))
        return m[0], jn[0]

    @pl.when(wid < _BS)
    def _():
        b = wid
        pltpu.sync_copy(cd_hbm.at[b], blk)
        for k in range(_CCHUNK):
            colmask[pl.ds(k * 16, 16)] = jnp.zeros((16,), jnp.float32)

        def init_body(r, carry):
            m, jn = _row_scan(r)
            _scat1(rowmin, r, m)
            _scat1(rowargmin, r, jn)
            return carry

        lax.fori_loop(0, _NQ, init_body, 0)

        def pad_body(r, carry):
            _scat1(rowmin, r, _REMOVED)
            _scat1(rowargmin, r, -1)
            return carry

        lax.fori_loop(_NQ, _NQP, pad_body, 0)

        def step(t, carry):
            best = rowmin[pl.ds(0, 16)]
            bidx = iota16
            for k in range(1, _NCHUNK):
                v = rowmin[pl.ds(k * 16, 16)]
                lt = v < best
                best = jnp.where(lt, v, best)
                bidx = jnp.where(lt, iota16 + k * 16, bidx)
            m = _vmin(best)
            ivec = _vmin(jnp.where(best == m, bidx, jnp.int32(2 ** 30)))
            i = ivec[0]
            j = rowargmin[pl.ds(i, 16)][0]
            _scat1(rowsv, t, i)
            _scat1(colsv, t, j)
            _scat1(rowmin, i, _REMOVED)
            _scat1(rowargmin, i, -1)
            _scat1(colmask, j, _BIG)

            for k in range(_NCHUNK):
                av = rowargmin[pl.ds(k * 16, 16)]
                hit = (av == j) & (iota16 + k * 16 != i)
                cnt = plsc.all_reduce_population_count(hit)[0]

                @pl.when(cnt > 0)
                def _rescan():
                    def wbody(state):
                        mask, n = state
                        l = plsc.all_reduce_ffs(mask)[0]
                        r = k * 16 + l
                        mr, jr = _row_scan(r)
                        _scat1(rowmin, r, mr)
                        _scat1(rowargmin, r, jr)
                        return mask & (iota16 != l), n - 1

                    lax.while_loop(lambda s: s[1] > 0, wbody, (hit, cnt))

            return carry

        lax.fori_loop(0, _NT, step, 0)
        pltpu.sync_copy(rowsv, rows_hbm.at[b])
        pltpu.sync_copy(colsv, cols_hbm.at[b])


def _sc_greedy(cd):
    mesh = plsc.VectorSubcoreMesh(core_axis_name="c", subcore_axis_name="s",
                                  num_cores=2, num_subcores=16)
    f = pl.kernel(
        _sc_greedy_body,
        out_type=[jax.ShapeDtypeStruct((_BS, _NTP), jnp.int32),
                  jax.ShapeDtypeStruct((_BS, _NTP), jnp.int32)],
        mesh=mesh,
        compiler_params=pltpu.CompilerParams(needs_layout_passes=False),
        scratch_types=[
            pltpu.VMEM((_NQP, _NTP), jnp.float32),
            pltpu.VMEM((_NQP,), jnp.float32),
            pltpu.VMEM((_NQP + 16,), jnp.int32),
            pltpu.VMEM((_NTP,), jnp.float32),
            pltpu.VMEM((_NTP,), jnp.int32),
            pltpu.VMEM((_NTP,), jnp.int32),
        ],
    )
    return f(cd)


def kernel(pred_logits, pred_boxes, tgt_labels, tgt_boxes_xyxy,
           image_size_xyxy, image_size_xyxy_tgt):
    bs, nq, nc = pred_logits.shape
    nt = tgt_labels.shape[1]

    logits2d = pred_logits.reshape(bs * nq, nc)
    boxes2d = pred_boxes.reshape(bs * nq, 4)
    boxesP = jnp.pad(boxes2d, ((0, 0), (0, 124)))
    isrow = jnp.repeat(image_size_xyxy, nq, axis=0)
    isrowP = jnp.pad(isrow, ((0, 0), (0, 124)), constant_values=1.0)
    ids = tgt_labels.reshape(-1).astype(jnp.int32)
    idsRow = jnp.broadcast_to(ids[None, :], (8, bs * nt))
    tgtT = jnp.pad(tgt_boxes_xyxy.reshape(-1, 4).T, ((0, 4), (0, 0)))
    tgtisT = jnp.pad(image_size_xyxy_tgt.reshape(-1, 4).T, ((0, 4), (0, 0)),
                     constant_values=1.0)

    RB = 1000
    grid = (bs * nq) // RB
    T = bs * nt
    C2 = pl.pallas_call(
        _cost_kernel,
        grid=(grid,),
        in_specs=[
            pl.BlockSpec((RB, nc), lambda g: (g, 0)),
            pl.BlockSpec((RB, 128), lambda g: (g, 0)),
            pl.BlockSpec((RB, 128), lambda g: (g, 0)),
            pl.BlockSpec((8, T), lambda g: (0, 0)),
            pl.BlockSpec((8, T), lambda g: (0, 0)),
            pl.BlockSpec((8, T), lambda g: (0, 0)),
        ],
        out_specs=pl.BlockSpec((RB, T), lambda g: (g, 0)),
        out_shape=jax.ShapeDtypeStruct((bs * nq, T), jnp.float32),
    )(logits2d, boxesP, isrowP, idsRow, tgtT, tgtisT)
    C = C2.reshape(bs, nq, T)

    pad_q = _NQP - nq
    logitsPd = jnp.pad(pred_logits, ((0, 0), (0, pad_q), (0, 0))
                       ).reshape(bs * _NQP, nc)
    boxesPd = jnp.pad(pred_boxes, ((0, 0), (0, pad_q), (0, 0)))
    boxesPd = jnp.pad(boxesPd.reshape(bs * _NQP, 4), ((0, 0), (0, 124)))
    isrowPd = jnp.repeat(image_size_xyxy, _NQP, axis=0)
    isrowPd = jnp.pad(isrowPd, ((0, 0), (0, 124)), constant_values=1.0)
    idsD = jnp.pad(tgt_labels.astype(jnp.int32), ((0, 0), (0, _NTP - nt)))
    idsD = jnp.broadcast_to(idsD[:, None, :], (bs, 8, _NTP))
    tgtTd = jnp.pad(jnp.swapaxes(tgt_boxes_xyxy, 1, 2),
                    ((0, 0), (0, 4), (0, _NTP - nt)))
    tgtisTd = jnp.pad(jnp.swapaxes(image_size_xyxy_tgt, 1, 2),
                      ((0, 0), (0, 4), (0, _NTP - nt)), constant_values=1.0)

    Cd = pl.pallas_call(
        _diag_kernel,
        grid=(bs,),
        in_specs=[
            pl.BlockSpec((_NQP, nc), lambda b: (b, 0)),
            pl.BlockSpec((_NQP, 128), lambda b: (b, 0)),
            pl.BlockSpec((_NQP, 128), lambda b: (b, 0)),
            pl.BlockSpec((1, 8, _NTP), lambda b: (b, 0, 0)),
            pl.BlockSpec((1, 8, _NTP), lambda b: (b, 0, 0)),
            pl.BlockSpec((1, 8, _NTP), lambda b: (b, 0, 0)),
        ],
        out_specs=pl.BlockSpec((1, _NQP, _NTP), lambda b: (b, 0, 0)),
        out_shape=jax.ShapeDtypeStruct((bs, _NQP, _NTP), jnp.float32),
    )(logitsPd, boxesPd, isrowPd, idsD, tgtTd, tgtisTd)

    del Cd
    return C

# --- scband reference (transcript-rebuilt; emitter-appended) ---
"""Pipeline reference for scband-hungarian-matcher-lite-68899865362671 (READ-ONLY COPY).

The authoritative reference and input builder live on the scoring server;
editing this copy changes nothing except your own understanding.
"""

import jax, jax.numpy as jnp
import numpy as np

BS, NQ, NC, NT = 16, 500, 80, 100
ALPHA, GAMMA = 0.25, 2.0
CLASS_W, L1_W, GIOU_W = 2.0, 5.0, 2.0


def _make_boxes(key, prefix):
    k1, k2 = jax.random.split(key)
    xy = jax.random.uniform(k1, prefix + (2,), dtype=jnp.float32) * 1000.0
    wh = jax.random.uniform(k2, prefix + (2,), dtype=jnp.float32) * 300.0 + 1.0
    return jnp.concatenate([xy, xy + wh], axis=-1)


def setup_inputs(seed: int = 0) -> dict:
    key = jax.random.key(seed)
    ks = jax.random.split(key, 4)
    pred_logits = jax.random.normal(ks[0], (BS, NQ, NC), dtype=jnp.float32)
    pred_boxes = _make_boxes(ks[1], (BS, NQ))
    tgt_labels = jax.random.randint(ks[2], (BS, NT), 0, NC, dtype=jnp.int64 if jax.config.read('jax_enable_x64') else jnp.int32)
    tgt_boxes_xyxy = _make_boxes(ks[3], (BS, NT))
    img = jnp.tile(jnp.array([1333.0, 800.0, 1333.0, 800.0], dtype=jnp.float32), (BS, 1))
    image_size_xyxy = img
    image_size_xyxy_tgt = jnp.tile(img[:, None, :], (1, NT, 1))
    return {
        'pred_logits': pred_logits,
        'pred_boxes': pred_boxes,
        'tgt_labels': tgt_labels,
        'tgt_boxes_xyxy': tgt_boxes_xyxy,
        'image_size_xyxy': image_size_xyxy,
        'image_size_xyxy_tgt': image_size_xyxy_tgt,
    }


def _generalized_box_iou(boxes1, boxes2):
    area1 = (boxes1[:, 2] - boxes1[:, 0]) * (boxes1[:, 3] - boxes1[:, 1])
    area2 = (boxes2[:, 2] - boxes2[:, 0]) * (boxes2[:, 3] - boxes2[:, 1])
    lt = jnp.maximum(boxes1[:, None, :2], boxes2[None, :, :2])
    rb = jnp.minimum(boxes1[:, None, 2:], boxes2[None, :, 2:])
    wh = jnp.clip(rb - lt, 0.0)
    inter = wh[..., 0] * wh[..., 1]
    union = area1[:, None] + area2[None, :] - inter
    iou = inter / union
    lt2 = jnp.minimum(boxes1[:, None, :2], boxes2[None, :, :2])
    rb2 = jnp.maximum(boxes1[:, None, 2:], boxes2[None, :, 2:])
    wh2 = jnp.clip(rb2 - lt2, 0.0)
    area = wh2[..., 0] * wh2[..., 1]
    return iou - (area - union) / area


def _compute_cost(pred_logits, pred_boxes, tgt_labels, tgt_boxes_xyxy, image_size_xyxy, image_size_xyxy_tgt):
    bs, nq = pred_logits.shape[:2]
    out_prob = jax.nn.sigmoid(pred_logits.reshape(bs * nq, -1))
    out_bbox = pred_boxes.reshape(bs * nq, 4)
    tgt_ids = tgt_labels.reshape(-1)
    tgt_bbox = tgt_boxes_xyxy.reshape(-1, 4)
    neg_cost = (1.0 - ALPHA) * out_prob ** GAMMA * (-jnp.log(1.0 - out_prob + 1e-08))
    pos_cost = ALPHA * (1.0 - out_prob) ** GAMMA * (-jnp.log(out_prob + 1e-08))
    cost_class = pos_cost[:, tgt_ids] - neg_cost[:, tgt_ids]
    image_size_out = jnp.repeat(image_size_xyxy, nq, axis=0)
    image_size_tgt = image_size_xyxy_tgt.reshape(-1, 4)
    out_bbox_ = out_bbox / image_size_out
    tgt_bbox_ = tgt_bbox / image_size_tgt
    cost_bbox = jnp.sum(jnp.abs(out_bbox_[:, None, :] - tgt_bbox_[None, :, :]), axis=-1)
    cost_giou = -_generalized_box_iou(out_bbox, tgt_bbox)
    C = L1_W * cost_bbox + CLASS_W * cost_class + GIOU_W * cost_giou
    return C.reshape(bs, nq, -1)


def _greedy_assign(cost):
    m, n = cost.shape
    k = min(m, n)
    cur = cost.astype(jnp.float32)
    rows0 = jnp.zeros((k,), dtype=jnp.int32)
    cols0 = jnp.zeros((k,), dtype=jnp.int32)

    def body(t, state):
        cur, rows, cols = state
        idx = jnp.argmin(cur)
        i = idx // n
        j = idx % n
        rows = rows.at[t].set(i.astype(jnp.int32))
        cols = cols.at[t].set(j.astype(jnp.int32))
        cur = cur.at[i, :].set(jnp.inf).at[:, j].set(jnp.inf)
        return cur, rows, cols

    _, rows, cols = jax.lax.fori_loop(0, k, body, (cur, rows0, cols0))
    return rows, cols


def reference(pred_logits, pred_boxes, tgt_labels, tgt_boxes_xyxy, image_size_xyxy, image_size_xyxy_tgt):
    C = _compute_cost(pred_logits, pred_boxes, tgt_labels, tgt_boxes_xyxy, image_size_xyxy, image_size_xyxy_tgt)
    bs = pred_logits.shape[0]
    all_rows, all_cols = [], []
    for i in range(bs):
        ci = C[i, :, i * NT:(i + 1) * NT]
        r, c = _greedy_assign(ci)
        all_rows.append(r)
        all_cols.append(c)
    return C, jnp.stack(all_rows), jnp.stack(all_cols)

if __name__ == "__main__":
    import jax
    _d = setup_inputs()
    print(jax.jit(kernel)(*tuple(_d.values())))

</pallas_src>

<mosaic_0001>
module attributes {stable_mosaic.version = 14 : i64} {
  func.func @_cost_kernel(%arg0: i32, %arg1: memref<1000x80xf32, #tpu.memory_space<vmem>>, %arg2: memref<1000x128xf32, #tpu.memory_space<vmem>>, %arg3: memref<1000x128xf32, #tpu.memory_space<vmem>>, %arg4: memref<8x1600xi32, #tpu.memory_space<vmem>>, %arg5: memref<8x1600xf32, #tpu.memory_space<vmem>>, %arg6: memref<8x1600xf32, #tpu.memory_space<vmem>>, %arg7: memref<1000x1600xf32, #tpu.memory_space<vmem>>) attributes {dimension_semantics = [#tpu.dimension_semantics<arbitrary>], iteration_bounds = array<i64: 8>, scalar_prefetch = 0 : i64, scratch_operands = 0 : i64, tpu.core_type = #tpu.core_type<tc>, window_params = [{transform_indices = @transform_0, window_bounds = array<i64: 1000, 80>}, {transform_indices = @transform_1, window_bounds = array<i64: 1000, 128>}, {transform_indices = @transform_2, window_bounds = array<i64: 1000, 128>}, {pipeline_mode = #tpu.pipeline_mode<synchronous>, transform_indices = @transform_3, window_bounds = array<i64: 8, 1600>}, {pipeline_mode = #tpu.pipeline_mode<synchronous>, transform_indices = @transform_4, window_bounds = array<i64: 8, 1600>}, {pipeline_mode = #tpu.pipeline_mode<synchronous>, transform_indices = @transform_5, window_bounds = array<i64: 8, 1600>}, {transform_indices = @transform_6, window_bounds = array<i64: 1000, 1600>}]} {
    %get3A = arith.constant 0 : index
    %get3A_0 = arith.constant 0 : index
    %get3A_1 = vector.load %arg1[%get3A, %get3A_0] : memref<1000x80xf32, #tpu.memory_space<vmem>>, vector<1000x80xf32>
    %neg3A = arith.constant 0.000000e+00 : f32
    %neg3A_2 = vector.broadcast %neg3A : f32 to vector<1000x80xf32>
    %neg3A_3 = arith.subf %neg3A_2, %get3A_1 : vector<1000x80xf32>
    %exp3A = math.exp %neg3A_3 : vector<1000x80xf32>
    %add3A = arith.constant 1.000000e+00 : f32
    %add3A_4 = vector.broadcast %add3A : f32 to vector<1000x80xf32>
    %add3A_5 = arith.addf %add3A_4, %exp3A : vector<1000x80xf32>
    %div3A = arith.constant 1.000000e+00 : f32
    %div3A_6 = vector.broadcast %div3A : f32 to vector<1000x80xf32>
    %div3A_7 = arith.divf %div3A_6, %add3A_5 : vector<1000x80xf32>
    %mul3A = arith.mulf %div3A_7, %div3A_7 : vector<1000x80xf32>
    %mul3A_8 = arith.constant 7.500000e-01 : f32
    %mul3A_9 = vector.broadcast %mul3A_8 : f32 to vector<1000x80xf32>
    %mul3A_10 = arith.mulf %mul3A_9, %mul3A : vector<1000x80xf32>
    %sub3A = arith.constant 1.000000e+00 : f32
    %sub3A_11 = vector.broadcast %sub3A : f32 to vector<1000x80xf32>
    %sub3A_12 = arith.subf %sub3A_11, %div3A_7 : vector<1000x80xf32>
    %add3A_13 = arith.constant 9.99999993E-9 : f32
    %add3A_14 = vector.broadcast %add3A_13 : f32 to vector<1000x80xf32>
    %add3A_15 = arith.addf %sub3A_12, %add3A_14 : vector<1000x80xf32>
    %log3A = math.log %add3A_15 : vector<1000x80xf32>
    %neg3A_16 = arith.constant 0.000000e+00 : f32
    %neg3A_17 = vector.broadcast %neg3A_16 : f32 to vector<1000x80xf32>
    %neg3A_18 = arith.subf %neg3A_17, %log3A : vector<1000x80xf32>
    %mul3A_19 = arith.mulf %mul3A_10, %neg3A_18 : vector<1000x80xf32>
    %sub3A_20 = arith.constant 1.000000e+00 : f32
    %sub3A_21 = vector.broadcast %sub3A_20 : f32 to vector<1000x80xf32>
    %sub3A_22 = arith.subf %sub3A_21, %div3A_7 : vector<1000x80xf32>
    %sub3A_23 = arith.constant 1.000000e+00 : f32
    %sub3A_24 = vector.broadcast %sub3A_23 : f32 to vector<1000x80xf32>
    %sub3A_25 = arith.subf %sub3A_24, %div3A_7 : vector<1000x80xf32>
    %mul3A_26 = arith.mulf %sub3A_22, %sub3A_25 : vector<1000x80xf32>
    %mul3A_27 = arith.constant 2.500000e-01 : f32
    %mul3A_28 = vector.broadcast %mul3A_27 : f32 to vector<1000x80xf32>
    %mul3A_29 = arith.mulf %mul3A_28, %mul3A_26 : vector<1000x80xf32>
    %add3A_30 = arith.constant 9.99999993E-9 : f32
    %add3A_31 = vector.broadcast %add3A_30 : f32 to vector<1000x80xf32>
    %add3A_32 = arith.addf %div3A_7, %add3A_31 : vector<1000x80xf32>
    %log3A_33 = math.log %add3A_32 : vector<1000x80xf32>
    %neg3A_34 = arith.constant 0.000000e+00 : f32
    %neg3A_35 = vector.broadcast %neg3A_34 : f32 to vector<1000x80xf32>
    %neg3A_36 = arith.subf %neg3A_35, %log3A_33 : vector<1000x80xf32>
    %mul3A_37 = arith.mulf %mul3A_29, %neg3A_36 : vector<1000x80xf32>
    %sub3A_38 = arith.subf %mul3A_37, %mul3A_19 : vector<1000x80xf32>
    %get3A_39 = arith.constant 0 : index
    %get3A_40 = arith.constant 0 : index
    %get3A_41 = vector.load %arg4[%get3A_39, %get3A_40] : memref<8x1600xi32, #tpu.memory_space<vmem>>, vector<1x1600xi32>
    %broadcast_in_dim3A = arith.constant 0.000000e+00 : f32
    %broadcast_in_dim3A_42 = vector.broadcast %broadcast_in_dim3A : f32 to vector<1000x1600xf32>
    %eq3A = arith.constant 0 : i32
    %eq3A_43 = vector.broadcast %eq3A : i32 to vector<1x1600xi32>
    %eq3A_44 = arith.cmpi eq, %get3A_41, %eq3A_43 : vector<1x1600xi32>
    %slice3A = vector.extract_strided_slice %sub3A_38 {offsets = [0, 0], sizes = [1000, 1], strides = [1, 1]} : vector<1000x80xf32> to vector<1000x1xf32>
    %broadcast_in_dim3A_45 = vector.shape_cast %eq3A_44 : vector<1x1600xi1> to vector<1x1600xi1>
    %broadcast_in_dim3A_46 = vector.broadcast %broadcast_in_dim3A_45 : vector<1x1600xi1> to vector<1000x1600xi1>
    %broadcast_in_dim3A_47 = vector.shape_cast %slice3A : vector<1000x1xf32> to vector<1000x1xf32>
    %broadcast_in_dim3A_48 = vector.broadcast %broadcast_in_dim3A_47 : vector<1000x1xf32> to vector<1000x1600xf32>
    %select_n3A = arith.select %broadcast_in_dim3A_46, %broadcast_in_dim3A_48, %broadcast_in_dim3A_42 : vector<1000x1600xi1>, vector<1000x1600xf32>
    %eq3A_49 = arith.constant 1 : i32
    %eq3A_50 = vector.broadcast %eq3A_49 : i32 to vector<1x1600xi32>
    %eq3A_51 = arith.cmpi eq, %get3A_41, %eq3A_50 : vector<1x1600xi32>
    %slice3A_52 = vector.extract_strided_slice %sub3A_38 {offsets = [0, 1], sizes = [1000, 1], strides = [1, 1]} : vector<1000x80xf32> to vector<1000x1xf32>
    %broadcast_in_dim3A_53 = vector.shape_cast %eq3A_51 : vector<1x1600xi1> to vector<1x1600xi1>
    %broadcast_in_dim3A_54 = vector.broadcast %broadcast_in_dim3A_53 : vector<1x1600xi1> to vector<1000x1600xi1>
    %broadcast_in_dim3A_55 = vector.shape_cast %slice3A_52 : vector<1000x1xf32> to vector<1000x1xf32>
    %broadcast_in_dim3A_56 = vector.broadcast %broadcast_in_dim3A_55 : vector<1000x1xf32> to vector<1000x1600xf32>
    %select_n3A_57 = arith.select %broadcast_in_dim3A_54, %broadcast_in_dim3A_56, %select_n3A : vector<1000x1600xi1>, vector<1000x1600xf32>
    %eq3A_58 = arith.constant 2 : i32
    %eq3A_59 = vector.broadcast %eq3A_58 : i32 to vector<1x1600xi32>
    %eq3A_60 = arith.cmpi eq, %get3A_41, %eq3A_59 : vector<1x1600xi32>
    %slice3A_61 = vector.extract_strided_slice %sub3A_38 {offsets = [0, 2], sizes = [1000, 1], strides = [1, 1]} : vector<1000x80xf32> to vector<1000x1xf32>
    %broadcast_in_dim3A_62 = vector.shape_cast %eq3A_60 : vector<1x1600xi1> to vector<1x1600xi1>
    %broadcast_in_dim3A_63 = vector.broadcast %broadcast_in_dim3A_62 : vector<1x1600xi1> to vector<1000x1600xi1>
    %broadcast_in_dim3A_64 = vector.shape_cast %slice3A_61 : vector<1000x1xf32> to vector<1000x1xf32>
    %broadcast_in_dim3A_65 = vector.broadcast %broadcast_in_dim3A_64 : vector<1000x1xf32> to vector<1000x1600xf32>
    %select_n3A_66 = arith.select %broadcast_in_dim3A_63, %broadcast_in_dim3A_65, %select_n3A_57 : vector<1000x1600xi1>, vector<1000x1600xf32>
    %eq3A_67 = arith.constant 3 : i32
    %eq3A_68 = vector.broadcast %eq3A_67 : i32 to vector<1x1600xi32>
    %eq3A_69 = arith.cmpi eq, %get3A_41, %eq3A_68 : vector<1x1600xi32>
    %slice3A_70 = vector.extract_strided_slice %sub3A_38 {offsets = [0, 3], sizes = [1000, 1], strides = [1, 1]} : vector<1000x80xf32> to vector<1000x1xf32>
    %broadcast_in_dim3A_71 = vector.shape_cast %eq3A_69 : vector<1x1600xi1> to vector<1x1600xi1>
    %broadcast_in_dim3A_72 = vector.broadcast %broadcast_in_dim3A_71 : vector<1x1600xi1> to vector<1000x1600xi1>
    %broadcast_in_dim3A_73 = vector.shape_cast %slice3A_70 : vector<1000x1xf32> to vector<1000x1xf32>
    %broadcast_in_dim3A_74 = vector.broadcast %broadcast_in_dim3A_73 : vector<1000x1xf32> to vector<1000x1600xf32>
    %select_n3A_75 = arith.select %broadcast_in_dim3A_72, %broadcast_in_dim3A_74, %select_n3A_66 : vector<1000x1600xi1>, vector<1000x1600xf32>
    %eq3A_76 = arith.constant 4 : i32
    %eq3A_77 = vector.broadcast %eq3A_76 : i32 to vector<1x1600xi32>
    %eq3A_78 = arith.cmpi eq, %get3A_41, %eq3A_77 : vector<1x1600xi32>
    %slice3A_79 = vector.extract_strided_slice %sub3A_38 {offsets = [0, 4], sizes = [1000, 1], strides = [1, 1]} : vector<1000x80xf32> to vector<1000x1xf32>
    %broadcast_in_dim3A_80 = vector.shape_cast %eq3A_78 : vector<1x1600xi1> to vector<1x1600xi1>
    %broadcast_in_dim3A_81 = vector.broadcast %broadcast_in_dim3A_80 : vector<1x1600xi1> to vector<1000x1600xi1>
    %broadcast_in_dim3A_82 = vector.shape_cast %slice3A_79 : vector<1000x1xf32> to vector<1000x1xf32>
    %broadcast_in_dim3A_83 = vector.broadcast %broadcast_in_dim3A_82 : vector<1000x1xf32> to vector<1000x1600xf32>
    %select_n3A_84 = arith.select %broadcast_in_dim3A_81, %broadcast_in_dim3A_83, %select_n3A_75 : vector<1000x1600xi1>, vector<1000x1600xf32>
    %eq3A_85 = arith.constant 5 : i32
    %eq3A_86 = vector.broadcast %eq3A_85 : i32 to vector<1x1600xi32>
    %eq3A_87 = arith.cmpi eq, %get3A_41, %eq3A_86 : vector<1x1600xi32>
    %slice3A_88 = vector.extract_strided_slice %sub3A_38 {offsets = [0, 5], sizes = [1000, 1], strides = [1, 1]} : vector<1000x80xf32> to vector<1000x1xf32>
    %broadcast_in_dim3A_89 = vector.shape_cast %eq3A_87 : vector<1x1600xi1> to vector<1x1600xi1>
    %broadcast_in_dim3A_90 = vector.broadcast %broadcast_in_dim3A_89 : vector<1x1600xi1> to vector<1000x1600xi1>
    %broadcast_in_dim3A_91 = vector.shape_cast %slice3A_88 : vector<1000x1xf32> to vector<1000x1xf32>
    %broadcast_in_dim3A_92 = vector.broadcast %broadcast_in_dim3A_91 : vector<1000x1xf32> to vector<1000x1600xf32>
    %select_n3A_93 = arith.select %broadcast_in_dim3A_90, %broadcast_in_dim3A_92, %select_n3A_84 : vector<1000x1600xi1>, vector<1000x1600xf32>
    %eq3A_94 = arith.constant 6 : i32
    %eq3A_95 = vector.broadcast %eq3A_94 : i32 to vector<1x1600xi32>
    %eq3A_96 = arith.cmpi eq, %get3A_41, %eq3A_95 : vector<1x1600xi32>
    %slice3A_97 = vector.extract_strided_slice %sub3A_38 {offsets = [0, 6], sizes = [1000, 1], strides = [1, 1]} : vector<1000x80xf32> to vector<1000x1xf32>
    %broadcast_in_dim3A_98 = vector.shape_cast %eq3A_96 : vector<1x1600xi1> to vector<1x1600xi1>
    %broadcast_in_dim3A_99 = vector.broadcast %broadcast_in_dim3A_98 : vector<1x1600xi1> to vector<1000x1600xi1>
    %broadcast_in_dim3A_100 = vector.shape_cast %slice3A_97 : vector<1000x1xf32> to vector<1000x1xf32>
    %broadcast_in_dim3A_101 = vector.broadcast %broadcast_in_dim3A_100 : vector<1000x1xf32> to vector<1000x1600xf32>
    %select_n3A_102 = arith.select %broadcast_in_dim3A_99, %broadcast_in_dim3A_101, %select_n3A_93 : vector<1000x1600xi1>, vector<1000x1600xf32>
    %eq3A_103 = arith.constant 7 : i32
    %eq3A_104 = vector.broadcast %eq3A_103 : i32 to vector<1x1600xi32>
    %eq3A_105 = arith.cmpi eq, %get3A_41, %eq3A_104 : vector<1x1600xi32>
    %slice3A_106 = vector.extract_strided_slice %sub3A_38 {offsets = [0, 7], sizes = [1000, 1], strides = [1, 1]} : vector<1000x80xf32> to vector<1000x1xf32>
    %broadcast_in_dim3A_107 = vector.shape_cast %eq3A_105 : vector<1x1600xi1> to vector<1x1600xi1>
    %broadcast_in_dim3A_108 = vector.broadcast %broadcast_in_dim3A_107 : vector<1x1600xi1> to vector<1000x1600xi1>
    %broadcast_in_dim3A_109 = vector.shape_cast %slice3A_106 : vector<1000x1xf32> to vector<1000x1xf32>
    %broadcast_in_dim3A_110 = vector.broadcast %broadcast_in_dim3A_109 : vector<1000x1xf32> to vector<1000x1600xf32>
    %select_n3A_111 = arith.select %broadcast_in_dim3A_108, %broadcast_in_dim3A_110, %select_n3A_102 : vector<1000x1600xi1>, vector<1000x1600xf32>
    %eq3A_112 = arith.constant 8 : i32
    %eq3A_113 = vector.broadcast %eq3A_112 : i32 to vector<1x1600xi32>
    %eq3A_114 = arith.cmpi eq, %get3A_41, %eq3A_113 : vector<1x1600xi32>
    %slice3A_115 = vector.extract_strided_slice %sub3A_38 {offsets = [0, 8], sizes = [1000, 1], strides = [1, 1]} : vector<1000x80xf32> to vector<1000x1xf32>
    %broadcast_in_dim3A_116 = vector.shape_cast %eq3A_114 : vector<1x1600xi1> to vector<1x1600xi1>
    %broadcast_in_dim3A_117 = vector.broadcast %broadcast_in_dim3A_116 : vector<1x1600xi1> to vector<1000x1600xi1>
    %broadcast_in_dim3A_118 = vector.shape_cast %slice3A_115 : vector<1000x1xf32> to vector<1000x1xf32>
    %broadcast_in_dim3A_119 = vector.broadcast %broadcast_in_dim3A_118 : vector<1000x1xf32> to vector<1000x1600xf32>
    %select_n3A_120 = arith.select %broadcast_in_dim3A_117, %broadcast_in_dim3A_119, %select_n3A_111 : vector<1000x1600xi1>, vector<1000x1600xf32>
    %eq3A_121 = arith.constant 9 : i32
    %eq3A_122 = vector.broadcast %eq3A_121 : i32 to vector<1x1600xi32>
    %eq3A_123 = arith.cmpi eq, %get3A_41, %eq3A_122 : vector<1x1600xi32>
    %slice3A_124 = vector.extract_strided_slice %sub3A_38 {offsets = [0, 9], sizes = [1000, 1], strides = [1, 1]} : vector<1000x80xf32> to vector<1000x1xf32>
    %broadcast_in_dim3A_125 = vector.shape_cast %eq3A_123 : vector<1x1600xi1> to vector<1x1600xi1>
    %broadcast_in_dim3A_126 = vector.broadcast %broadcast_in_dim3A_125 : vector<1x1600xi1> to vector<1000x1600xi1>
    %broadcast_in_dim3A_127 = vector.shape_cast %slice3A_124 : vector<1000x1xf32> to vector<1000x1xf32>
    %broadcast_in_dim3A_128 = vector.broadcast %broadcast_in_dim3A_127 : vector<1000x1xf32> to vector<1000x1600xf32>
    %select_n3A_129 = arith.select %broadcast_in_dim3A_126, %broadcast_in_dim3A_128, %select_n3A_120 : vector<1000x1600xi1>, vector<1000x1600xf32>
    %eq3A_130 = arith.constant 10 : i32
    %eq3A_131 = vector.broadcast %eq3A_130 : i32 to vector<1x1600xi32>
    %eq3A_132 = arith.cmpi eq, %get3A_41, %eq3A_131 : vector<1x1600xi32>
    %slice3A_133 = vector.extract_strided_slice %sub3A_38 {offsets = [0, 10], sizes = [1000, 1], strides = [1, 1]} : vector<1000x80xf32> to vector<1000x1xf32>
    %broadcast_in_dim3A_134 = vector.shape_cast %eq3A_132 : vector<1x1600xi1> to vector<1x1600xi1>
    %broadcast_in_dim3A_135 = vector.broadcast %broadcast_in_dim3A_134 : vector<1x1600xi1> to vector<1000x1600xi1>
    %broadcast_in_dim3A_136 = vector.shape_cast %slice3A_133 : vector<1000x1xf32> to vector<1000x1xf32>
    %broadcast_in_dim3A_137 = vector.broadcast %broadcast_in_dim3A_136 : vector<1000x1xf32> to vector<1000x1600xf32>
    %select_n3A_138 = arith.select %broadcast_in_dim3A_135, %broadcast_in_dim3A_137, %select_n3A_129 : vector<1000x1600xi1>, vector<1000x1600xf32>
    %eq3A_139 = arith.constant 11 : i32
    %eq3A_140 = vector.broadcast %eq3A_139 : i32 to vector<1x1600xi32>
    %eq3A_141 = arith.cmpi eq, %get3A_41, %eq3A_140 : vector<1x1600xi32>
    %slice3A_142 = vector.extract_strided_slice %sub3A_38 {offsets = [0, 11], sizes = [1000, 1], strides = [1, 1]} : vector<1000x80xf32> to vector<1000x1xf32>
    %broadcast_in_dim3A_143 = vector.shape_cast %eq3A_141 : vector<1x1600xi1> to vector<1x1600xi1>
    %broadcast_in_dim3A_144 = vector.broadcast %broadcast_in_dim3A_143 : vector<1x1600xi1> to vector<1000x1600xi1>
    %broadcast_in_dim3A_145 = vector.shape_cast %slice3A_142 : vector<1000x1xf32> to vector<1000x1xf32>
    %broadcast_in_dim3A_146 = vector.broadcast %broadcast_in_dim3A_145 : vector<1000x1xf32> to vector<1000x1600xf32>
    %select_n3A_147 = arith.select %broadcast_in_dim3A_144, %broadcast_in_dim3A_146, %select_n3A_138 : vector<1000x1600xi1>, vector<1000x1600xf32>
    %eq3A_148 = arith.constant 12 : i32
    %eq3A_149 = vector.broadcast %eq3A_148 : i32 to vector<1x1600xi32>
    %eq3A_150 = arith.cmpi eq, %get3A_41, %eq3A_149 : vector<1x1600xi32>
    %slice3A_151 = vector.extract_strided_slice %sub3A_38 {offsets = [0, 12], sizes = [1000, 1], strides = [1, 1]} : vector<1000x80xf32> to vector<1000x1xf32>
    %broadcast_in_dim3A_152 = vector.shape_cast %eq3A_150 : vector<1x1600xi1> to vector<1x1600xi1>
    %broadcast_in_dim3A_153 = vector.broadcast %broadcast_in_dim3A_152 : vector<1x1600xi1> to vector<1000x1600xi1>
    %broadcast_in_dim3A_154 = vector.shape_cast %slice3A_151 : vector<1000x1xf32> to vector<1000x1xf32>
    %broadcast_in_dim3A_155 = vector.broadcast %broadcast_in_dim3A_154 : vector<1000x1xf32> to vector<1000x1600xf32>
    %select_n3A_156 = arith.select %broadcast_in_dim3A_153, %broadcast_in_dim3A_155, %select_n3A_147 : vector<1000x1600xi1>, vector<1000x1600xf32>
    %eq3A_157 = arith.constant 13 : i32
    %eq3A_158 = vector.broadcast %eq3A_157 : i32 to vector<1x1600xi32>
    %eq3A_159 = arith.cmpi eq, %get3A_41, %eq3A_158 : vector<1x1600xi32>
    %slice3A_160 = vector.extract_strided_slice %sub3A_38 {offsets = [0, 13], sizes = [1000, 1], strides = [1, 1]} : vector<1000x80xf32> to vector<1000x1xf32>
    %broadcast_in_dim3A_161 = vector.shape_cast %eq3A_159 : vector<1x1600xi1> to vector<1x1600xi1>
    %broadcast_in_dim3A_162 = vector.broadcast %broadcast_in_dim3A_161 : vector<1x1600xi1> to vector<1000x1600xi1>
    %broadcast_in_dim3A_163 = vector.shape_cast %slice3A_160 : vector<1000x1xf32> to vector<1000x1xf32>
    %broadcast_in_dim3A_164 = vector.broadcast %broadcast_in_dim3A_163 : vector<1000x1xf32> to vector<1000x1600xf32>
    %select_n3A_165 = arith.select %broadcast_in_dim3A_162, %broadcast_in_dim3A_164, %select_n3A_156 : vector<1000x1600xi1>, vector<1000x1600xf32>
    %eq3A_166 = arith.constant 14 : i32
    %eq3A_167 = vector.broadcast %eq3A_166 : i32 to vector<1x1600xi32>
    %eq3A_168 = arith.cmpi eq, %get3A_41, %eq3A_167 : vector<1x1600xi32>
    %slice3A_169 = vector.extract_strided_slice %sub3A_38 {offsets = [0, 14], sizes = [1000, 1], strides = [1, 1]} : vector<1000x80xf32> to vector<1000x1xf32>
    %broadcast_in_dim3A_170 = vector.shape_cast %eq3A_168 : vector<1x1600xi1> to vector<1x1600xi1>
    %broadcast_in_dim3A_171 = vector.broadcast %broadcast_in_dim3A_170 : vector<1x1600xi1> to vector<1000x1600xi1>
    %broadcast_in_dim3A_172 = vector.shape_cast %slice3A_169 : vector<1000x1xf32> to vector<1000x1xf32>
    %broadcast_in_dim3A_173 = vector.broadcast %broadcast_in_dim3A_172 : vector<1000x1xf32> to vector<1000x1600xf32>
    %select_n3A_174 = arith.select %broadcast_in_dim3A_171, %broadcast_in_dim3A_173, %select_n3A_165 : vector<1000x1600xi1>, vector<1000x1600xf32>
    %eq3A_175 = arith.constant 15 : i32
    %eq3A_176 = vector.broadcast %eq3A_175 : i32 to vector<1x1600xi32>
    %eq3A_177 = arith.cmpi eq, %get3A_41, %eq3A_176 : vector<1x1600xi32>
    %slice3A_178 = vector.extract_strided_slice %sub3A_38 {offsets = [0, 15], sizes = [1000, 1], strides = [1, 1]} : vector<1000x80xf32> to vector<1000x1xf32>
    %broadcast_in_dim3A_179 = vector.shape_cast %eq3A_177 : vector<1x1600xi1> to vector<1x1600xi1>
    %broadcast_in_dim3A_180 = vector.broadcast %broadcast_in_dim3A_179 : vector<1x1600xi1> to vector<1000x1600xi1>
    %broadcast_in_dim3A_181 = vector.shape_cast %slice3A_178 : vector<1000x1xf32> to vector<1000x1xf32>
    %broadcast_in_dim3A_182 = vector.broadcast %broadcast_in_dim3A_181 : vector<1000x1xf32> to vector<1000x1600xf32>
    %select_n3A_183 = arith.select %broadcast_in_dim3A_180, %broadcast_in_dim3A_182, %select_n3A_174 : vector<1000x1600xi1>, vector<1000x1600xf32>
    %eq3A_184 = arith.constant 16 : i32
    %eq3A_185 = vector.broadcast %eq3A_184 : i32 to vector<1x1600xi32>
    %eq3A_186 = arith.cmpi eq, %get3A_41, %eq3A_185 : vector<1x1600xi32>
    %slice3A_187 = vector.extract_strided_slice %sub3A_38 {offsets = [0, 16], sizes = [1000, 1], strides = [1, 1]} : vector<1000x80xf32> to vector<1000x1xf32>
    %broadcast_in_dim3A_188 = vector.shape_cast %eq3A_186 : vector<1x1600xi1> to vector<1x1600xi1>
    %broadcast_in_dim3A_189 = vector.broadcast %broadcast_in_dim3A_188 : vector<1x1600xi1> to vector<1000x1600xi1>
    %broadcast_in_dim3A_190 = vector.shape_cast %slice3A_187 : vector<1000x1xf32> to vector<1000x1xf32>
    %broadcast_in_dim3A_191 = vector.broadcast %broadcast_in_dim3A_190 : vector<1000x1xf32> to vector<1000x1600xf32>
    %select_n3A_192 = arith.select %broadcast_in_dim3A_189, %broadcast_in_dim3A_191, %select_n3A_183 : vector<1000x1600xi1>, vector<1000x1600xf32>
    %eq3A_193 = arith.constant 17 : i32
    %eq3A_194 = vector.broadcast %eq3A_193 : i32 to vector<1x1600xi32>
    %eq3A_195 = arith.cmpi eq, %get3A_41, %eq3A_194 : vector<1x1600xi32>
    %slice3A_196 = vector.extract_strided_slice %sub3A_38 {offsets = [0, 17], sizes = [1000, 1], strides = [1, 1]} : vector<1000x80xf32> to vector<1000x1xf32>
    %broadcast_in_dim3A_197 = vector.shape_cast %eq3A_195 : vector<1x1600xi1> to vector<1x1600xi1>
    %broadcast_in_dim3A_198 = vector.broadcast %broadcast_in_dim3A_197 : vector<1x1600xi1> to vector<1000x1600xi1>
    %broadcast_in_dim3A_199 = vector.shape_cast %slice3A_196 : vector<1000x1xf32> to vector<1000x1xf32>
    %broadcast_in_dim3A_200 = vector.broadcast %broadcast_in_dim3A_199 : vector<1000x1xf32> to vector<1000x1600xf32>
    %select_n3A_201 = arith.select %broadcast_in_dim3A_198, %broadcast_in_dim3A_200, %select_n3A_192 : vector<1000x1600xi1>, vector<1000x1600xf32>
    %eq3A_202 = arith.constant 18 : i32
    %eq3A_203 = vector.broadcast %eq3A_202 : i32 to vector<1x1600xi32>
    %eq3A_204 = arith.cmpi eq, %get3A_41, %eq3A_203 : vector<1x1600xi32>
    %slice3A_205 = vector.extract_strided_slice %sub3A_38 {offsets = [0, 18], sizes = [1000, 1], strides = [1, 1]} : vector<1000x80xf32> to vector<1000x1xf32>
    %broadcast_in_dim3A_206 = vector.shape_cast %eq3A_204 : vector<1x1600xi1> to vector<1x1600xi1>
    %broadcast_in_dim3A_207 = vector.broadcast %broadcast_in_dim3A_206 : vector<1x1600xi1> to vector<1000x1600xi1>
    %broadcast_in_dim3A_208 = vector.shape_cast %slice3A_205 : vector<1000x1xf32> to vector<1000x1xf32>
    %broadcast_in_dim3A_209 = vector.broadcast %broadcast_in_dim3A_208 : vector<1000x1xf32> to vector<1000x1600xf32>
    %select_n3A_210 = arith.select %broadcast_in_dim3A_207, %broadcast_in_dim3A_209, %select_n3A_201 : vector<1000x1600xi1>, vector<1000x1600xf32>
    %eq3A_211 = arith.constant 19 : i32
    %eq3A_212 = vector.broadcast %eq3A_211 : i32 to vector<1x1600xi32>
    %eq3A_213 = arith.cmpi eq, %get3A_41, %eq3A_212 : vector<1x1600xi32>
    %slice3A_214 = vector.extract_strided_slice %sub3A_38 {offsets = [0, 19], sizes = [1000, 1], strides = [1, 1]} : vector<1000x80xf32> to vector<1000x1xf32>
    %broadcast_in_dim3A_215 = vector.shape_cast %eq3A_213 : vector<1x1600xi1> to vector<1x1600xi1>
    %broadcast_in_dim3A_216 = vector.broadcast %broadcast_in_dim3A_215 : vector<1x1600xi1> to vector<1000x1600xi1>
    %broadcast_in_dim3A_217 = vector.shape_cast %slice3A_214 : vector<1000x1xf32> to vector<1000x1xf32>
    %broadcast_in_dim3A_218 = vector.broadcast %broadcast_in_dim3A_217 : vector<1000x1xf32> to vector<1000x1600xf32>
    %select_n3A_219 = arith.select %broadcast_in_dim3A_216, %broadcast_in_dim3A_218, %select_n3A_210 : vector<1000x1600xi1>, vector<1000x1600xf32>
    %eq3A_220 = arith.constant 20 : i32
    %eq3A_221 = vector.broadcast %eq3A_220 : i32 to vector<1x1600xi32>
    %eq3A_222 = arith.cmpi eq, %get3A_41, %eq3A_221 : vector<1x1600xi32>
    %slice3A_223 = vector.extract_strided_slice %sub3A_38 {offsets = [0, 20], sizes = [1000, 1], strides = [1, 1]} : vector<1000x80xf32> to vector<1000x1xf32>
    %broadcast_in_dim3A_224 = vector.shape_cast %eq3A_222 : vector<1x1600xi1> to vector<1x1600xi1>
    %broadcast_in_dim3A_225 = vector.broadcast %broadcast_in_dim3A_224 : vector<1x1600xi1> to vector<1000x1600xi1>
    %broadcast_in_dim3A_226 = vector.shape_cast %slice3A_223 : vector<1000x1xf32> to vector<1000x1xf32>
    %broadcast_in_dim3A_227 = vector.broadcast %broadcast_in_dim3A_226 : vector<1000x1xf32> to vector<1000x1600xf32>
    %select_n3A_228 = arith.select %broadcast_in_dim3A_225, %broadcast_in_dim3A_227, %select_n3A_219 : vector<1000x1600xi1>, vector<1000x1600xf32>
    %eq3A_229 = arith.constant 21 : i32
    %eq3A_230 = vector.broadcast %eq3A_229 : i32 to vector<1x1600xi32>
    %eq3A_231 = arith.cmpi eq, %get3A_41, %eq3A_230 : vector<1x1600xi32>
    %slice3A_232 = vector.extract_strided_slice %sub3A_38 {offsets = [0, 21], sizes = [1000, 1], strides = [1, 1]} : vector<1000x80xf32> to vector<1000x1xf32>
    %broadcast_in_dim3A_233 = vector.shape_cast %eq3A_231 : vector<1x1600xi1> to vector<1x1600xi1>
    %broadcast_in_dim3A_234 = vector.broadcast %broadcast_in_dim3A_233 : vector<1x1600xi1> to vector<1000x1600xi1>
    %broadcast_in_dim3A_235 = vector.shape_cast %slice3A_232 : vector<1000x1xf32> to vector<1000x1xf32>
    %broadcast_in_dim3A_236 = vector.broadcast %broadcast_in_dim3A_235 : vector<1000x1xf32> to vector<1000x1600xf32>
    %select_n3A_237 = arith.select %broadcast_in_dim3A_234, %broadcast_in_dim3A_236, %select_n3A_228 : vector<1000x1600xi1>, vector<1000x1600xf32>
    %eq3A_238 = arith.constant 22 : i32
    %eq3A_239 = vector.broadcast %eq3A_238 : i32 to vector<1x1600xi32>
    %eq3A_240 = arith.cmpi eq, %get3A_41, %eq3A_239 : vector<1x1600xi32>
    %slice3A_241 = vector.extract_strided_slice %sub3A_38 {offsets = [0, 22], sizes = [1000, 1], strides = [1, 1]} : vector<1000x80xf32> to vector<1000x1xf32>
    %broadcast_in_dim3A_242 = vector.shape_cast %eq3A_240 : vector<1x1600xi1> to vector<1x1600xi1>
    %broadcast_in_dim3A_243 = vector.broadcast %broadcast_in_dim3A_242 : vector<1x1600xi1> to vector<1000x1600xi1>
    %broadcast_in_dim3A_244 = vector.shape_cast %slice3A_241 : vector<1000x1xf32> to vector<1000x1xf32>
    %broadcast_in_dim3A_245 = vector.broadcast %broadcast_in_dim3A_244 : vector<1000x1xf32> to vector<1000x1600xf32>
    %select_n3A_246 = arith.select %broadcast_in_dim3A_243, %broadcast_in_dim3A_245, %select_n3A_237 : vector<1000x1600xi1>, vector<1000x1600xf32>
    %eq3A_247 = arith.constant 23 : i32
    %eq3A_248 = vector.broadcast %eq3A_247 : i32 to vector<1x1600xi32>
    %eq3A_249 = arith.cmpi eq, %get3A_41, %eq3A_248 : vector<1x1600xi32>
    %slice3A_250 = vector.extract_strided_slice %sub3A_38 {offsets = [0, 23], sizes = [1000, 1], strides = [1, 1]} : vector<1000x80xf32> to vector<1000x1xf32>
    %broadcast_in_dim3A_251 = vector.shape_cast %eq3A_249 : vector<1x1600xi1> to vector<1x1600xi1>
    %broadcast_in_dim3A_252 = vector.broadcast %broadcast_in_dim3A_251 : vector<1x1600xi1> to vector<1000x1600xi1>
    %broadcast_in_dim3A_253 = vector.shape_cast %slice3A_250 : vector<1000x1xf32> to vector<1000x1xf32>
    %broadcast_in_dim3A_254 = vector.broadcast %broadcast_in_dim3A_253 : vector<1000x1xf32> to vector<1000x1600xf32>
    %select_n3A_255 = arith.select %broadcast_in_dim3A_252, %broadcast_in_dim3A_254, %select_n3A_246 : vector<1000x1600xi1>, vector<1000x1600xf32>
    %eq3A_256 = arith.constant 24 : i32
    %eq3A_257 = vector.broadcast %eq3A_256 : i32 to vector<1x1600xi32>
    %eq3A_258 = arith.cmpi eq, %get3A_41, %eq3A_257 : vector<1x1600xi32>
    %slice3A_259 = vector.extract_strided_slice %sub3A_38 {offsets = [0, 24], sizes = [1000, 1], strides = [1, 1]} : vector<1000x80xf32> to vector<1000x1xf32>
    %broadcast_in_dim3A_260 = vector.shape_cast %eq3A_258 : vector<1x1600xi1> to vector<1x1600xi1>
    %broadcast_in_dim3A_261 = vector.broadcast %broadcast_in_dim3A_260 : vector<1x1600xi1> to vector<1000x1600xi1>
    %broadcast_in_dim3A_262 = vector.shape_cast %slice3A_259 : vector<1000x1xf32> to vector<1000x1xf32>
    %broadcast_in_dim3A_263 = vector.broadcast %broadcast_in_dim3A_262 : vector<1000x1xf32> to vector<1000x1600xf32>
    %select_n3A_264 = arith.select %broadcast_in_dim3A_261, %broadcast_in_dim3A_263, %select_n3A_255 : vector<1000x1600xi1>, vector<1000x1600xf32>
    %eq3A_265 = arith.constant 25 : i32
    %eq3A_266 = vector.broadcast %eq3A_265 : i32 to vector<1x1600xi32>
    %eq3A_267 = arith.cmpi eq, %get3A_41, %eq3A_266 : vector<1x1600xi32>
    %slice3A_268 = vector.extract_strided_slice %sub3A_38 {offsets = [0, 25], sizes = [1000, 1], strides = [1, 1]} : vector<1000x80xf32> to vector<1000x1xf32>
    %broadcast_in_dim3A_269 = vector.shape_cast %eq3A_267 : vector<1x1600xi1> to vector<1x1600xi1>
    %broadcast_in_dim3A_270 = vector.broadcast %broadcast_in_dim3A_269 : vector<1x1600xi1> to vector<1000x1600xi1>
    %broadcast_in_dim3A_271 = vector.shape_cast %slice3A_268 : vector<1000x1xf32> to vector<1000x1xf32>
    %broadcast_in_dim3A_272 = vector.broadcast %broadcast_in_dim3A_271 : vector<1000x1xf32> to vector<1000x1600xf32>
    %select_n3A_273 = arith.select %broadcast_in_dim3A_270, %broadcast_in_dim3A_272, %select_n3A_264 : vector<1000x1600xi1>, vector<1000x1600xf32>
    %eq3A_274 = arith.constant 26 : i32
    %eq3A_275 = vector.broadcast %eq3A_274 : i32 to vector<1x1600xi32>
    %eq3A_276 = arith.cmpi eq, %get3A_41, %eq3A_275 : vector<1x1600xi32>
    %slice3A_277 = vector.extract_strided_slice %sub3A_38 {offsets = [0, 26], sizes = [1000, 1], strides = [1, 1]} : vector<1000x80xf32> to vector<1000x1xf32>
    %broadcast_in_dim3A_278 = vector.shape_cast %eq3A_276 : vector<1x1600xi1> to vector<1x1600xi1>
    %broadcast_in_dim3A_279 = vector.broadcast %broadcast_in_dim3A_278 : vector<1x1600xi1> to vector<1000x1600xi1>
    %broadcast_in_dim3A_280 = vector.shape_cast %slice3A_277 : vector<1000x1xf32> to vector<1000x1xf32>
    %broadcast_in_dim3A_281 = vector.broadcast %broadcast_in_dim3A_280 : vector<1000x1xf32> to vector<1000x1600xf32>
    %select_n3A_282 = arith.select %broadcast_in_dim3A_279, %broadcast_in_dim3A_281, %select_n3A_273 : vector<1000x1600xi1>, vector<1000x1600xf32>
    %eq3A_283 = arith.constant 27 : i32
    %eq3A_284 = vector.broadcast %eq3A_283 : i32 to vector<1x1600xi32>
    %eq3A_285 = arith.cmpi eq, %get3A_41, %eq3A_284 : vector<1x1600xi32>
    %slice3A_286 = vector.extract_strided_slice %sub3A_38 {offsets = [0, 27], sizes = [1000, 1], strides = [1, 1]} : vector<1000x80xf32> to vector<1000x1xf32>
    %broadcast_in_dim3A_287 = vector.shape_cast %eq3A_285 : vector<1x1600xi1> to vector<1x1600xi1>
    %broadcast_in_dim3A_288 = vector.broadcast %broadcast_in_dim3A_287 : vector<1x1600xi1> to vector<1000x1600xi1>
    %broadcast_in_dim3A_289 = vector.shape_cast %slice3A_286 : vector<1000x1xf32> to vector<1000x1xf32>
    %broadcast_in_dim3A_290 = vector.broadcast %broadcast_in_dim3A_289 : vector<1000x1xf32> to vector<1000x1600xf32>
    %select_n3A_291 = arith.select %broadcast_in_dim3A_288, %broadcast_in_dim3A_290, %select_n3A_282 : vector<1000x1600xi1>, vector<1000x1600xf32>
    %eq3A_292 = arith.constant 28 : i32
    %eq3A_293 = vector.broadcast %eq3A_292 : i32 to vector<1x1600xi32>
    %eq3A_294 = arith.cmpi eq, %get3A_41, %eq3A_293 : vector<1x1600xi32>
    %slice3A_295 = vector.extract_strided_slice %sub3A_38 {offsets = [0, 28], sizes = [1000, 1], strides = [1, 1]} : vector<1000x80xf32> to vector<1000x1xf32>
    %broadcast_in_dim3A_296 = vector.shape_cast %eq3A_294 : vector<1x1600xi1> to vector<1x1600xi1>
    %broadcast_in_dim3A_297 = vector.broadcast %broadcast_in_dim3A_296 : vector<1x1600xi1> to vector<1000x1600xi1>
    %broadcast_in_dim3A_298 = vector.shape_cast %slice3A_295 : vector<1000x1xf32> to vector<1000x1xf32>
    %broadcast_in_dim3A_299 = vector.broadcast %broadcast_in_dim3A_298 : vector<1000x1xf32> to vector<1000x1600xf32>
    %select_n3A_300 = arith.select %broadcast_in_dim3A_297, %broadcast_in_dim3A_299, %select_n3A_291 : vector<1000x1600xi1>, vector<1000x1600xf32>
    %eq3A_301 = arith.constant 29 : i32
    %eq3A_302 = vector.broadcast %eq3A_301 : i32 to vector<1x1600xi32>
    %eq3A_303 = arith.cmpi eq, %get3A_41, %eq3A_302 : vector<1x1600xi32>
    %slice3A_304 = vector.extract_strided_slice %sub3A_38 {offsets = [0, 29], sizes = [1000, 1], strides = [1, 1]} : vector<1000x80xf32> to vector<1000x1xf32>
    %broadcast_in_dim3A_305 = vector.shape_cast %eq3A_303 : vector<1x1600xi1> to vector<1x1600xi1>
    %broadcast_in_dim3A_306 = vector.broadcast %broadcast_in_dim3A_305 : vector<1x1600xi1> to vector<1000x1600xi1>
    %broadcast_in_dim3A_307 = vector.shape_cast %slice3A_304 : vector<1000x1xf32> to vector<1000x1xf32>
    %broadcast_in_dim3A_308 = vector.broadcast %broadcast_in_dim3A_307 : vector<1000x1xf32> to vector<1000x1600xf32>
    %select_n3A_309 = arith.select %broadcast_in_dim3A_306, %broadcast_in_dim3A_308, %select_n3A_300 : vector<1000x1600xi1>, vector<1000x1600xf32>
    %eq3A_310 = arith.constant 30 : i32
    %eq3A_311 = vector.broadcast %eq3A_310 : i32 to vector<1x1600xi32>
    %eq3A_312 = arith.cmpi eq, %get3A_41, %eq3A_311 : vector<1x1600xi32>
    %slice3A_313 = vector.extract_strided_slice %sub3A_38 {offsets = [0, 30], sizes = [1000, 1], strides = [1, 1]} : vector<1000x80xf32> to vector<1000x1xf32>
    %broadcast_in_dim3A_314 = vector.shape_cast %eq3A_312 : vector<1x1600xi1> to vector<1x1600xi1>
    %broadcast_in_dim3A_315 = vector.broadcast %broadcast_in_dim3A_314 : vector<1x1600xi1> to vector<1000x1600xi1>
    %broadcast_in_dim3A_316 = vector.shape_cast %slice3A_313 : vector<1000x1xf32> to vector<1000x1xf32>
    %broadcast_in_dim3A_317 = vector.broadcast %broadcast_in_dim3A_316 : vector<1000x1xf32> to vector<1000x1600xf32>
    %select_n3A_318 = arith.select %broadcast_in_dim3A_315, %broadcast_in_dim3A_317, %select_n3A_309 : vector<1000x1600xi1>, vector<1000x1600xf32>
    %eq3A_319 = arith.constant 31 : i32
    %eq3A_320 = vector.broadcast %eq3A_319 : i32 to vector<1x1600xi32>
    %eq3A_321 = arith.cmpi eq, %get3A_41, %eq3A_320 : vector<1x1600xi32>
    %slice3A_322 = vector.extract_strided_slice %sub3A_38 {offsets = [0, 31], sizes = [1000, 1], strides = [1, 1]} : vector<1000x80xf32> to vector<1000x1xf32>
    %broadcast_in_dim3A_323 = vector.shape_cast %eq3A_321 : vector<1x1600xi1> to vector<1x1600xi1>
    %broadcast_in_dim3A_324 = vector.broadcast %broadcast_in_dim3A_323 : vector<1x1600xi1> to vector<1000x1600xi1>
    %broadcast_in_dim3A_325 = vector.shape_cast %slice3A_322 : vector<1000x1xf32> to vector<1000x1xf32>
    %broadcast_in_dim3A_326 = vector.broadcast %broadcast_in_dim3A_325 : vector<1000x1xf32> to vector<1000x1600xf32>
    %select_n3A_327 = arith.select %broadcast_in_dim3A_324, %broadcast_in_dim3A_326, %select_n3A_318 : vector<1000x1600xi1>, vector<1000x1600xf32>
    %eq3A_328 = arith.constant 32 : i32
    %eq3A_329 = vector.broadcast %eq3A_328 : i32 to vector<1x1600xi32>
    %eq3A_330 = arith.cmpi eq, %get3A_41, %eq3A_329 : vector<1x1600xi32>
    %slice3A_331 = vector.extract_strided_slice %sub3A_38 {offsets = [0, 32], sizes = [1000, 1], strides = [1, 1]} : vector<1000x80xf32> to vector<1000x1xf32>
    %broadcast_in_dim3A_332 = vector.shape_cast %eq3A_330 : vector<1x1600xi1> to vector<1x1600xi1>
    %broadcast_in_dim3A_333 = vector.broadcast %broadcast_in_dim3A_332 : vector<1x1600xi1> to vector<1000x1600xi1>
    %broadcast_in_dim3A_334 = vector.shape_cast %slice3A_331 : vector<1000x1xf32> to vector<1000x1xf32>
    %broadcast_in_dim3A_335 = vector.broadcast %broadcast_in_dim3A_334 : vector<1000x1xf32> to vector<1000x1600xf32>
    %select_n3A_336 = arith.select %broadcast_in_dim3A_333, %broadcast_in_dim3A_335, %select_n3A_327 : vector<1000x1600xi1>, vector<1000x1600xf32>
    %eq3A_337 = arith.constant 33 : i32
    %eq3A_338 = vector.broadcast %eq3A_337 : i32 to vector<1x1600xi32>
    %eq3A_339 = arith.cmpi eq, %get3A_41, %eq3A_338 : vector<1x1600xi32>
    %slice3A_340 = vector.extract_strided_slice %sub3A_38 {offsets = [0, 33], sizes = [1000, 1], strides = [1, 1]} : vector<1000x80xf32> to vector<1000x1xf32>
    %broadcast_in_dim3A_341 = vector.shape_cast %eq3A_339 : vector<1x1600xi1> to vector<1x1600xi1>
    %broadcast_in_dim3A_342 = vector.broadcast %broadcast_in_dim3A_341 : vector<1x1600xi1> to vector<1000x1600xi1>
    %broadcast_in_dim3A_343 = vector.shape_cast %slice3A_340 : vector<1000x1xf32> to vector<1000x1xf32>
    %broadcast_in_dim3A_344 = vector.broadcast %broadcast_in_dim3A_343 : vector<1000x1xf32> to vector<1000x1600xf32>
    %select_n3A_345 = arith.select %broadcast_in_dim3A_342, %broadcast_in_dim3A_344, %select_n3A_336 : vector<1000x1600xi1>, vector<1000x1600xf32>
    %eq3A_346 = arith.constant 34 : i32
    %eq3A_347 = vector.broadcast %eq3A_346 : i32 to vector<1x1600xi32>
    %eq3A_348 = arith.cmpi eq, %get3A_41, %eq3A_347 : vector<1x1600xi32>
    %slice3A_349 = vector.extract_strided_slice %sub3A_38 {offsets = [0, 34], sizes = [1000, 1], strides = [1, 1]} : vector<1000x80xf32> to vector<1000x1xf32>
    %broadcast_in_dim3A_350 = vector.shape_cast %eq3A_348 : vector<1x1600xi1> to vector<1x1600xi1>
    %broadcast_in_dim3A_351 = vector.broadcast %broadcast_in_dim3A_350 : vector<1x1600xi1> to vector<1000x1600xi1>
    %broadcast_in_dim3A_352 = vector.shape_cast %slice3A_349 : vector<1000x1xf32> to vector<1000x1xf32>
    %broadcast_in_dim3A_353 = vector.broadcast %broadcast_in_dim3A_352 : vector<1000x1xf32> to vector<1000x1600xf32>
    %select_n3A_354 = arith.select %broadcast_in_dim3A_351, %broadcast_in_dim3A_353, %select_n3A_345 : vector<1000x1600xi1>, vector<1000x1600xf32>
    %eq3A_355 = arith.constant 35 : i32
    %eq3A_356 = vector.broadcast %eq3A_355 : i32 to vector<1x1600xi32>
    %eq3A_357 = arith.cmpi eq, %get3A_41, %eq3A_356 : vector<1x1600xi32>
    %slice3A_358 = vector.extract_strided_slice %sub3A_38 {offsets = [0, 35], sizes = [1000, 1], strides = [1, 1]} : vector<1000x80xf32> to vector<1000x1xf32>
    %broadcast_in_dim3A_359 = vector.shape_cast %eq3A_357 : vector<1x1600xi1> to vector<1x1600xi1>
    %broadcast_in_dim3A_360 = vector.broadcast %broadcast_in_dim3A_359 : vector<1x1600xi1> to vector<1000x1600xi1>
    %broadcast_in_dim3A_361 = vector.shape_cast %slice3A_358 : vector<1000x1xf32> to vector<1000x1xf32>
    %broadcast_in_dim3A_362 = vector.broadcast %broadcast_in_dim3A_361 : vector<1000x1xf32> to vector<1000x1600xf32>
    %select_n3A_363 = arith.select %broadcast_in_dim3A_360, %broadcast_in_dim3A_362, %select_n3A_354 : vector<1000x1600xi1>, vector<1000x1600xf32>
    %eq3A_364 = arith.constant 36 : i32
    %eq3A_365 = vector.broadcast %eq3A_364 : i32 to vector<1x1600xi32>
    %eq3A_366 = arith.cmpi eq, %get3A_41, %eq3A_365 : vector<1x1600xi32>
    %slice3A_367 = vector.extract_strided_slice %sub3A_38 {offsets = [0, 36], sizes = [1000, 1], strides = [1, 1]} : vector<1000x80xf32> to vector<1000x1xf32>
    %broadcast_in_dim3A_368 = vector.shape_cast %eq3A_366 : vector<1x1600xi1> to vector<1x1600xi1>
    %broadcast_in_dim3A_369 = vector.broadcast %broadcast_in_dim3A_368 : vector<1x1600xi1> to vector<1000x1600xi1>
    %broadcast_in_dim3A_370 = vector.shape_cast %slice3A_367 : vector<1000x1xf32> to vector<1000x1xf32>
    %broadcast_in_dim3A_371 = vector.broadcast %broadcast_in_dim3A_370 : vector<1000x1xf32> to vector<1000x1600xf32>
    %select_n3A_372 = arith.select %broadcast_in_dim3A_369, %broadcast_in_dim3A_371, %select_n3A_363 : vector<1000x1600xi1>, vector<1000x1600xf32>
    %eq3A_373 = arith.constant 37 : i32
    %eq3A_374 = vector.broadcast %eq3A_373 : i32 to vector<1x1600xi32>
    %eq3A_375 = arith.cmpi eq, %get3A_41, %eq3A_374 : vector<1x1600xi32>
    %slice3A_376 = vector.extract_strided_slice %sub3A_38 {offsets = [0, 37], sizes = [1000, 1], strides = [1, 1]} : vector<1000x80xf32> to vector<1000x1xf32>
    %broadcast_in_dim3A_377 = vector.shape_cast %eq3A_375 : vector<1x1600xi1> to vector<1x1600xi1>
    %broadcast_in_dim3A_378 = vector.broadcast %broadcast_in_dim3A_377 : vector<1x1600xi1> to vector<1000x1600xi1>
    %broadcast_in_dim3A_379 = vector.shape_cast %slice3A_376 : vector<1000x1xf32> to vector<1000x1xf32>
    %broadcast_in_dim3A_380 = vector.broadcast %broadcast_in_dim3A_379 : vector<1000x1xf32> to vector<1000x1600xf32>
    %select_n3A_381 = arith.select %broadcast_in_dim3A_378, %broadcast_in_dim3A_380, %select_n3A_372 : vector<1000x1600xi1>, vector<1000x1600xf32>
    %eq3A_382 = arith.constant 38 : i32
    %eq3A_383 = vector.broadcast %eq3A_382 : i32 to vector<1x1600xi32>
    %eq3A_384 = arith.cmpi eq, %get3A_41, %eq3A_383 : vector<1x1600xi32>
    %slice3A_385 = vector.extract_strided_slice %sub3A_38 {offsets = [0, 38], sizes = [1000, 1], strides = [1, 1]} : vector<1000x80xf32> to vector<1000x1xf32>
    %broadcast_in_dim3A_386 = vector.shape_cast %eq3A_384 : vector<1x1600xi1> to vector<1x1600xi1>
    %broadcast_in_dim3A_387 = vector.broadcast %broadcast_in_dim3A_386 : vector<1x1600xi1> to vector<1000x1600xi1>
    %broadcast_in_dim3A_388 = vector.shape_cast %slice3A_385 : vector<1000x1xf32> to vector<1000x1xf32>
    %broadcast_in_dim3A_389 = vector.broadcast %broadcast_in_dim3A_388 : vector<1000x1xf32> to vector<1000x1600xf32>
    %select_n3A_390 = arith.select %broadcast_in_dim3A_387, %broadcast_in_dim3A_389, %select_n3A_381 : vector<1000x1600xi1>, vector<1000x1600xf32>
    %eq3A_391 = arith.constant 39 : i32
    %eq3A_392 = vector.broadcast %eq3A_391 : i32 to vector<1x1600xi32>
    %eq3A_393 = arith.cmpi eq, %get3A_41, %eq3A_392 : vector<1x1600xi32>
    %slice3A_394 = vector.extract_strided_slice %sub3A_38 {offsets = [0, 39], sizes = [1000, 1], strides = [1, 1]} : vector<1000x80xf32> to vector<1000x1xf32>
    %broadcast_in_dim3A_395 = vector.shape_cast %eq3A_393 : vector<1x1600xi1> to vector<1x1600xi1>
    %broadcast_in_dim3A_396 = vector.broadcast %broadcast_in_dim3A_395 : vector<1x1600xi1> to vector<1000x1600xi1>
    %broadcast_in_dim3A_397 = vector.shape_cast %slice3A_394 : vector<1000x1xf32> to vector<1000x1xf32>
    %broadcast_in_dim3A_398 = vector.broadcast %broadcast_in_dim3A_397 : vector<1000x1xf32> to vector<1000x1600xf32>
    %select_n3A_399 = arith.select %broadcast_in_dim3A_396, %broadcast_in_dim3A_398, %select_n3A_390 : vector<1000x1600xi1>, vector<1000x1600xf32>
    %eq3A_400 = arith.constant 40 : i32
    %eq3A_401 = vector.broadcast %eq3A_400 : i32 to vector<1x1600xi32>
    %eq3A_402 = arith.cmpi eq, %get3A_41, %eq3A_401 : vector<1x1600xi32>
    %slice3A_403 = vector.extract_strided_slice %sub3A_38 {offsets = [0, 40], sizes = [1000, 1], strides = [1, 1]} : vector<1000x80xf32> to vector<1000x1xf32>
    %broadcast_in_dim3A_404 = vector.shape_cast %eq3A_402 : vector<1x1600xi1> to vector<1x1600xi1>
    %broadcast_in_dim3A_405 = vector.broadcast %broadcast_in_dim3A_404 : vector<1x1600xi1> to vector<1000x1600xi1>
    %broadcast_in_dim3A_406 = vector.shape_cast %slice3A_403 : vector<1000x1xf32> to vector<1000x1xf32>
    %broadcast_in_dim3A_407 = vector.broadcast %broadcast_in_dim3A_406 : vector<1000x1xf32> to vector<1000x1600xf32>
    %select_n3A_408 = arith.select %broadcast_in_dim3A_405, %broadcast_in_dim3A_407, %select_n3A_399 : vector<1000x1600xi1>, vector<1000x1600xf32>
    %eq3A_409 = arith.constant 41 : i32
    %eq3A_410 = vector.broadcast %eq3A_409 : i32 to vector<1x1600xi32>
    %eq3A_411 = arith.cmpi eq, %get3A_41, %eq3A_410 : vector<1x1600xi32>
    %slice3A_412 = vector.extract_strided_slice %sub3A_38 {offsets = [0, 41], sizes = [1000, 1], strides = [1, 1]} : vector<1000x80xf32> to vector<1000x1xf32>
    %broadcast_in_dim3A_413 = vector.shape_cast %eq3A_411 : vector<1x1600xi1> to vector<1x1600xi1>
    %broadcast_in_dim3A_414 = vector.broadcast %broadcast_in_dim3A_413 : vector<1x1600xi1> to vector<1000x1600xi1>
    %broadcast_in_dim3A_415 = vector.shape_cast %slice3A_412 : vector<1000x1xf32> to vector<1000x1xf32>
    %broadcast_in_dim3A_416 = vector.broadcast %broadcast_in_dim3A_415 : vector<1000x1xf32> to vector<1000x1600xf32>
    %select_n3A_417 = arith.select %broadcast_in_dim3A_414, %broadcast_in_dim3A_416, %select_n3A_408 : vector<1000x1600xi1>, vector<1000x1600xf32>
    %eq3A_418 = arith.constant 42 : i32
    %eq3A_419 = vector.broadcast %eq3A_418 : i32 to vector<1x1600xi32>
    %eq3A_420 = arith.cmpi eq, %get3A_41, %eq3A_419 : vector<1x1600xi32>
    %slice3A_421 = vector.extract_strided_slice %sub3A_38 {offsets = [0, 42], sizes = [1000, 1], strides = [1, 1]} : vector<1000x80xf32> to vector<1000x1xf32>
    %broadcast_in_dim3A_422 = vector.shape_cast %eq3A_420 : vector<1x1600xi1> to vector<1x1600xi1>
    %broadcast_in_dim3A_423 = vector.broadcast %broadcast_in_dim3A_422 : vector<1x1600xi1> to vector<1000x1600xi1>
    %broadcast_in_dim3A_424 = vector.shape_cast %slice3A_421 : vector<1000x1xf32> to vector<1000x1xf32>
    %broadcast_in_dim3A_425 = vector.broadcast %broadcast_in_dim3A_424 : vector<1000x1xf32> to vector<1000x1600xf32>
    %select_n3A_426 = arith.select %broadcast_in_dim3A_423, %broadcast_in_dim3A_425, %select_n3A_417 : vector<1000x1600xi1>, vector<1000x1600xf32>
    %eq3A_427 = arith.constant 43 : i32
    %eq3A_428 = vector.broadcast %eq3A_427 : i32 to vector<1x1600xi32>
    %eq3A_429 = arith.cmpi eq, %get3A_41, %eq3A_428 : vector<1x1600xi32>
    %slice3A_430 = vector.extract_strided_slice %sub3A_38 {offsets = [0, 43], sizes = [1000, 1], strides = [1, 1]} : vector<1000x80xf32> to vector<1000x1xf32>
    %broadcast_in_dim3A_431 = vector.shape_cast %eq3A_429 : vector<1x1600xi1> to vector<1x1600xi1>
    %broadcast_in_dim3A_432 = vector.broadcast %broadcast_in_dim3A_431 : vector<1x1600xi1> to vector<1000x1600xi1>
    %broadcast_in_dim3A_433 = vector.shape_cast %slice3A_430 : vector<1000x1xf32> to vector<1000x1xf32>
    %broadcast_in_dim3A_434 = vector.broadcast %broadcast_in_dim3A_433 : vector<1000x1xf32> to vector<1000x1600xf32>
    %select_n3A_435 = arith.select %broadcast_in_dim3A_432, %broadcast_in_dim3A_434, %select_n3A_426 : vector<1000x1600xi1>, vector<1000x1600xf32>
    %eq3A_436 = arith.constant 44 : i32
    %eq3A_437 = vector.broadcast %eq3A_436 : i32 to vector<1x1600xi32>
    %eq3A_438 = arith.cmpi eq, %get3A_41, %eq3A_437 : vector<1x1600xi32>
    %slice3A_439 = vector.extract_strided_slice %sub3A_38 {offsets = [0, 44], sizes = [1000, 1], strides = [1, 1]} : vector<1000x80xf32> to vector<1000x1xf32>
    %broadcast_in_dim3A_440 = vector.shape_cast %eq3A_438 : vector<1x1600xi1> to vector<1x1600xi1>
    %broadcast_in_dim3A_441 = vector.broadcast %broadcast_in_dim3A_440 : vector<1x1600xi1> to vector<1000x1600xi1>
    %broadcast_in_dim3A_442 = vector.shape_cast %slice3A_439 : vector<1000x1xf32> to vector<1000x1xf32>
    %broadcast_in_dim3A_443 = vector.broadcast %broadcast_in_dim3A_442 : vector<1000x1xf32> to vector<1000x1600xf32>
    %select_n3A_444 = arith.select %broadcast_in_dim3A_441, %broadcast_in_dim3A_443, %select_n3A_435 : vector<1000x1600xi1>, vector<1000x1600xf32>
    %eq3A_445 = arith.constant 45 : i32
    %eq3A_446 = vector.broadcast %eq3A_445 : i32 to vector<1x1600xi32>
    %eq3A_447 = arith.cmpi eq, %get3A_41, %eq3A_446 : vector<1x1600xi32>
    %slice3A_448 = vector.extract_strided_slice %sub3A_38 {offsets = [0, 45], sizes = [1000, 1], strides = [1, 1]} : vector<1000x80xf32> to vector<1000x1xf32>
    %broadcast_in_dim3A_449 = vector.shape_cast %eq3A_447 : vector<1x1600xi1> to vector<1x1600xi1>
    %broadcast_in_dim3A_450 = vector.broadcast %broadcast_in_dim3A_449 : vector<1x1600xi1> to vector<1000x1600xi1>
    %broadcast_in_dim3A_451 = vector.shape_cast %slice3A_448 : vector<1000x1xf32> to vector<1000x1xf32>
    %broadcast_in_dim3A_452 = vector.broadcast %broadcast_in_dim3A_451 : vector<1000x1xf32> to vector<1000x1600xf32>
    %select_n3A_453 = arith.select %broadcast_in_dim3A_450, %broadcast_in_dim3A_452, %select_n3A_444 : vector<1000x1600xi1>, vector<1000x1600xf32>
    %eq3A_454 = arith.constant 46 : i32
    %eq3A_455 = vector.broadcast %eq3A_454 : i32 to vector<1x1600xi32>
    %eq3A_456 = arith.cmpi eq, %get3A_41, %eq3A_455 : vector<1x1600xi32>
    %slice3A_457 = vector.extract_strided_slice %sub3A_38 {offsets = [0, 46], sizes = [1000, 1], strides = [1, 1]} : vector<1000x80xf32> to vector<1000x1xf32>
    %broadcast_in_dim3A_458 = vector.shape_cast %eq3A_456 : vector<1x1600xi1> to vector<1x1600xi1>
    %broadcast_in_dim3A_459 = vector.broadcast %broadcast_in_dim3A_458 : vector<1x1600xi1> to vector<1000x1600xi1>
    %broadcast_in_dim3A_460 = vector.shape_cast %slice3A_457 : vector<1000x1xf32> to vector<1000x1xf32>
    %broadcast_in_dim3A_461 = vector.broadcast %broadcast_in_dim3A_460 : vector<1000x1xf32> to vector<1000x1600xf32>
    %select_n3A_462 = arith.select %broadcast_in_dim3A_459, %broadcast_in_dim3A_461, %select_n3A_453 : vector<1000x1600xi1>, vector<1000x1600xf32>
    %eq3A_463 = arith.constant 47 : i32
    %eq3A_464 = vector.broadcast %eq3A_463 : i32 to vector<1x1600xi32>
    %eq3A_465 = arith.cmpi eq, %get3A_41, %eq3A_464 : vector<1x1600xi32>
    %slice3A_466 = vector.extract_strided_slice %sub3A_38 {offsets = [0, 47], sizes = [1000, 1], strides = [1, 1]} : vector<1000x80xf32> to vector<1000x1xf32>
    %broadcast_in_dim3A_467 = vector.shape_cast %eq3A_465 : vector<1x1600xi1> to vector<1x1600xi1>
    %broadcast_in_dim3A_468 = vector.broadcast %broadcast_in_dim3A_467 : vector<1x1600xi1> to vector<1000x1600xi1>
    %broadcast_in_dim3A_469 = vector.shape_cast %slice3A_466 : vector<1000x1xf32> to vector<1000x1xf32>
    %broadcast_in_dim3A_470 = vector.broadcast %broadcast_in_dim3A_469 : vector<1000x1xf32> to vector<1000x1600xf32>
    %select_n3A_471 = arith.select %broadcast_in_dim3A_468, %broadcast_in_dim3A_470, %select_n3A_462 : vector<1000x1600xi1>, vector<1000x1600xf32>
    %eq3A_472 = arith.constant 48 : i32
    %eq3A_473 = vector.broadcast %eq3A_472 : i32 to vector<1x1600xi32>
    %eq3A_474 = arith.cmpi eq, %get3A_41, %eq3A_473 : vector<1x1600xi32>
    %slice3A_475 = vector.extract_strided_slice %sub3A_38 {offsets = [0, 48], sizes = [1000, 1], strides = [1, 1]} : vector<1000x80xf32> to vector<1000x1xf32>
    %broadcast_in_dim3A_476 = vector.shape_cast %eq3A_474 : vector<1x1600xi1> to vector<1x1600xi1>
    %broadcast_in_dim3A_477 = vector.broadcast %broadcast_in_dim3A_476 : vector<1x1600xi1> to vector<1000x1600xi1>
    %broadcast_in_dim3A_478 = vector.shape_cast %slice3A_475 : vector<1000x1xf32> to vector<1000x1xf32>
    %broadcast_in_dim3A_479 = vector.broadcast %broadcast_in_dim3A_478 : vector<1000x1xf32> to vector<1000x1600xf32>
    %select_n3A_480 = arith.select %broadcast_in_dim3A_477, %broadcast_in_dim3A_479, %select_n3A_471 : vector<1000x1600xi1>, vector<1000x1600xf32>
    %eq3A_481 = arith.constant 49 : i32
    %eq3A_482 = vector.broadcast %eq3A_481 : i32 to vector<1x1600xi32>
    %eq3A_483 = arith.cmpi eq, %get3A_41, %eq3A_482 : vector<1x1600xi32>
    %slice3A_484 = vector.extract_strided_slice %sub3A_38 {offsets = [0, 49], sizes = [1000, 1], strides = [1, 1]} : vector<1000x80xf32> to vector<1000x1xf32>
    %broadcast_in_dim3A_485 = vector.shape_cast %eq3A_483 : vector<1x1600xi1> to vector<1x1600xi1>
    %broadcast_in_dim3A_486 = vector.broadcast %broadcast_in_dim3A_485 : vector<1x1600xi1> to vector<1000x1600xi1>
    %broadcast_in_dim3A_487 = vector.shape_cast %slice3A_484 : vector<1000x1xf32> to vector<1000x1xf32>
    %broadcast_in_dim3A_488 = vector.broadcast %broadcast_in_dim3A_487 : vector<1000x1xf32> to vector<1000x1600xf32>
    %select_n3A_489 = arith.select %broadcast_in_dim3A_486, %broadcast_in_dim3A_488, %select_n3A_480 : vector<1000x1600xi1>, vector<1000x1600xf32>
    %eq3A_490 = arith.constant 50 : i32
    %eq3A_491 = vector.broadcast %eq3A_490 : i32 to vector<1x1600xi32>
    %eq3A_492 = arith.cmpi eq, %get3A_41, %eq3A_491 : vector<1x1600xi32>
    %slice3A_493 = vector.extract_strided_slice %sub3A_38 {offsets = [0, 50], sizes = [1000, 1], strides = [1, 1]} : vector<1000x80xf32> to vector<1000x1xf32>
    %broadcast_in_dim3A_494 = vector.shape_cast %eq3A_492 : vector<1x1600xi1> to vector<1x1600xi1>
    %broadcast_in_dim3A_495 = vector.broadcast %broadcast_in_dim3A_494 : vector<1x1600xi1> to vector<1000x1600xi1>
    %broadcast_in_dim3A_496 = vector.shape_cast %slice3A_493 : vector<1000x1xf32> to vector<1000x1xf32>
    %broadcast_in_dim3A_497 = vector.broadcast %broadcast_in_dim3A_496 : vector<1000x1xf32> to vector<1000x1600xf32>
    %select_n3A_498 = arith.select %broadcast_in_dim3A_495, %broadcast_in_dim3A_497, %select_n3A_489 : vector<1000x1600xi1>, vector<1000x1600xf32>
    %eq3A_499 = arith.constant 51 : i32
    %eq3A_500 = vector.broadcast %eq3A_499 : i32 to vector<1x1600xi32>
    %eq3A_501 = arith.cmpi eq, %get3A_41, %eq3A_500 : vector<1x1600xi32>
    %slice3A_502 = vector.extract_strided_slice %sub3A_38 {offsets = [0, 51], sizes = [1000, 1], strides = [1, 1]} : vector<1000x80xf32> to vector<1000x1xf32>
    %broadcast_in_dim3A_503 = vector.shape_cast %eq3A_501 : vector<1x1600xi1> to vector<1x1600xi1>
    %broadcast_in_dim3A_504 = vector.broadcast %broadcast_in_dim3A_503 : vector<1x1600xi1> to vector<1000x1600xi1>
    %broadcast_in_dim3A_505 = vector.shape_cast %slice3A_502 : vector<1000x1xf32> to vector<1000x1xf32>
    %broadcast_in_dim3A_506 = vector.broadcast %broadcast_in_dim3A_505 : vector<1000x1xf32> to vector<1000x1600xf32>
    %select_n3A_507 = arith.select %broadcast_in_dim3A_504, %broadcast_in_dim3A_506, %select_n3A_498 : vector<1000x1600xi1>, vector<1000x1600xf32>
    %eq3A_508 = arith.constant 52 : i32
    %eq3A_509 = vector.broadcast %eq3A_508 : i32 to vector<1x1600xi32>
    %eq3A_510 = arith.cmpi eq, %get3A_41, %eq3A_509 : vector<1x1600xi32>
    %slice3A_511 = vector.extract_strided_slice %sub3A_38 {offsets = [0, 52], sizes = [1000, 1], strides = [1, 1]} : vector<1000x80xf32> to vector<1000x1xf32>
    %broadcast_in_dim3A_512 = vector.shape_cast %eq3A_510 : vector<1x1600xi1> to vector<1x1600xi1>
    %broadcast_in_dim3A_513 = vector.broadcast %broadcast_in_dim3A_512 : vector<1x1600xi1> to vector<1000x1600xi1>
    %broadcast_in_dim3A_514 = vector.shape_cast %slice3A_511 : vector<1000x1xf32> to vector<1000x1xf32>
    %broadcast_in_dim3A_515 = vector.broadcast %broadcast_in_dim3A_514 : vector<1000x1xf32> to vector<1000x1600xf32>
    %select_n3A_516 = arith.select %broadcast_in_dim3A_513, %broadcast_in_dim3A_515, %select_n3A_507 : vector<1000x1600xi1>, vector<1000x1600xf32>
    %eq3A_517 = arith.constant 53 : i32
    %eq3A_518 = vector.broadcast %eq3A_517 : i32 to vector<1x1600xi32>
    %eq3A_519 = arith.cmpi eq, %get3A_41, %eq3A_518 : vector<1x1600xi32>
    %slice3A_520 = vector.extract_strided_slice %sub3A_38 {offsets = [0, 53], sizes = [1000, 1], strides = [1, 1]} : vector<1000x80xf32> to vector<1000x1xf32>
    %broadcast_in_dim3A_521 = vector.shape_cast %eq3A_519 : vector<1x1600xi1> to vector<1x1600xi1>
    %broadcast_in_dim3A_522 = vector.broadcast %broadcast_in_dim3A_521 : vector<1x1600xi1> to vector<1000x1600xi1>
    %broadcast_in_dim3A_523 = vector.shape_cast %slice3A_520 : vector<1000x1xf32> to vector<1000x1xf32>
    %broadcast_in_dim3A_524 = vector.broadcast %broadcast_in_dim3A_523 : vector<1000x1xf32> to vector<1000x1600xf32>
    %select_n3A_525 = arith.select %broadcast_in_dim3A_522, %broadcast_in_dim3A_524, %select_n3A_516 : vector<1000x1600xi1>, vector<1000x1600xf32>
    %eq3A_526 = arith.constant 54 : i32
    %eq3A_527 = vector.broadcast %eq3A_526 : i32 to vector<1x1600xi32>
    %eq3A_528 = arith.cmpi eq, %get3A_41, %eq3A_527 : vector<1x1600xi32>
    %slice3A_529 = vector.extract_strided_slice %sub3A_38 {offsets = [0, 54], sizes = [1000, 1], strides = [1, 1]} : vector<1000x80xf32> to vector<1000x1xf32>
    %broadcast_in_dim3A_530 = vector.shape_cast %eq3A_528 : vector<1x1600xi1> to vector<1x1600xi1>
    %broadcast_in_dim3A_531 = vector.broadcast %broadcast_in_dim3A_530 : vector<1x1600xi1> to vector<1000x1600xi1>
    %broadcast_in_dim3A_532 = vector.shape_cast %slice3A_529 : vector<1000x1xf32> to vector<1000x1xf32>
    %broadcast_in_dim3A_533 = vector.broadcast %broadcast_in_dim3A_532 : vector<1000x1xf32> to vector<1000x1600xf32>
    %select_n3A_534 = arith.select %broadcast_in_dim3A_531, %broadcast_in_dim3A_533, %select_n3A_525 : vector<1000x1600xi1>, vector<1000x1600xf32>
    %eq3A_535 = arith.constant 55 : i32
    %eq3A_536 = vector.broadcast %eq3A_535 : i32 to vector<1x1600xi32>
    %eq3A_537 = arith.cmpi eq, %get3A_41, %eq3A_536 : vector<1x1600xi32>
    %slice3A_538 = vector.extract_strided_slice %sub3A_38 {offsets = [0, 55], sizes = [1000, 1], strides = [1, 1]} : vector<1000x80xf32> to vector<1000x1xf32>
    %broadcast_in_dim3A_539 = vector.shape_cast %eq3A_537 : vector<1x1600xi1> to vector<1x1600xi1>
    %broadcast_in_dim3A_540 = vector.broadcast %broadcast_in_dim3A_539 : vector<1x1600xi1> to vector<1000x1600xi1>
    %broadcast_in_dim3A_541 = vector.shape_cast %slice3A_538 : vector<1000x1xf32> to vector<1000x1xf32>
    %broadcast_in_dim3A_542 = vector.broadcast %broadcast_in_dim3A_541 : vector<1000x1xf32> to vector<1000x1600xf32>
    %select_n3A_543 = arith.select %broadcast_in_dim3A_540, %broadcast_in_dim3A_542, %select_n3A_534 : vector<1000x1600xi1>, vector<1000x1600xf32>
    %eq3A_544 = arith.constant 56 : i32
    %eq3A_545 = vector.broadcast %eq3A_544 : i32 to vector<1x1600xi32>
    %eq3A_546 = arith.cmpi eq, %get3A_41, %eq3A_545 : vector<1x1600xi32>
    %slice3A_547 = vector.extract_strided_slice %sub3A_38 {offsets = [0, 56], sizes = [1000, 1], strides = [1, 1]} : vector<1000x80xf32> to vector<1000x1xf32>
    %broadcast_in_dim3A_548 = vector.shape_cast %eq3A_546 : vector<1x1600xi1> to vector<1x1600xi1>
    %broadcast_in_dim3A_549 = vector.broadcast %broadcast_in_dim3A_548 : vector<1x1600xi1> to vector<1000x1600xi1>
    %broadcast_in_dim3A_550 = vector.shape_cast %slice3A_547 : vector<1000x1xf32> to vector<1000x1xf32>
    %broadcast_in_dim3A_551 = vector.broadcast %broadcast_in_dim3A_550 : vector<1000x1xf32> to vector<1000x1600xf32>
    %select_n3A_552 = arith.select %broadcast_in_dim3A_549, %broadcast_in_dim3A_551, %select_n3A_543 : vector<1000x1600xi1>, vector<1000x1600xf32>
    %eq3A_553 = arith.constant 57 : i32
    %eq3A_554 = vector.broadcast %eq3A_553 : i32 to vector<1x1600xi32>
    %eq3A_555 = arith.cmpi eq, %get3A_41, %eq3A_554 : vector<1x1600xi32>
    %slice3A_556 = vector.extract_strided_slice %sub3A_38 {offsets = [0, 57], sizes = [1000, 1], strides = [1, 1]} : vector<1000x80xf32> to vector<1000x1xf32>
    %broadcast_in_dim3A_557 = vector.shape_cast %eq3A_555 : vector<1x1600xi1> to vector<1x1600xi1>
    %broadcast_in_dim3A_558 = vector.broadcast %broadcast_in_dim3A_557 : vector<1x1600xi1> to vector<1000x1600xi1>
    %broadcast_in_dim3A_559 = vector.shape_cast %slice3A_556 : vector<1000x1xf32> to vector<1000x1xf32>
    %broadcast_in_dim3A_560 = vector.broadcast %broadcast_in_dim3A_559 : vector<1000x1xf32> to vector<1000x1600xf32>
    %select_n3A_561 = arith.select %broadcast_in_dim3A_558, %broadcast_in_dim3A_560, %select_n3A_552 : vector<1000x1600xi1>, vector<1000x1600xf32>
    %eq3A_562 = arith.constant 58 : i32
    %eq3A_563 = vector.broadcast %eq3A_562 : i32 to vector<1x1600xi32>
    %eq3A_564 = arith.cmpi eq, %get3A_41, %eq3A_563 : vector<1x1600xi32>
    %slice3A_565 = vector.extract_strided_slice %sub3A_38 {offsets = [0, 58], sizes = [1000, 1], strides = [1, 1]} : vector<1000x80xf32> to vector<1000x1xf32>
    %broadcast_in_dim3A_566 = vector.shape_cast %eq3A_564 : vector<1x1600xi1> to vector<1x1600xi1>
    %broadcast_in_dim3A_567 = vector.broadcast %broadcast_in_dim3A_566 : vector<1x1600xi1> to vector<1000x1600xi1>
    %broadcast_in_dim3A_568 = vector.shape_cast %slice3A_565 : vector<1000x1xf32> to vector<1000x1xf32>
    %broadcast_in_dim3A_569 = vector.broadcast %broadcast_in_dim3A_568 : vector<1000x1xf32> to vector<1000x1600xf32>
    %select_n3A_570 = arith.select %broadcast_in_dim3A_567, %broadcast_in_dim3A_569, %select_n3A_561 : vector<1000x1600xi1>, vector<1000x1600xf32>
    %eq3A_571 = arith.constant 59 : i32
    %eq3A_572 = vector.broadcast %eq3A_571 : i32 to vector<1x1600xi32>
    %eq3A_573 = arith.cmpi eq, %get3A_41, %eq3A_572 : vector<1x1600xi32>
    %slice3A_574 = vector.extract_strided_slice %sub3A_38 {offsets = [0, 59], sizes = [1000, 1], strides = [1, 1]} : vector<1000x80xf32> to vector<1000x1xf32>
    %broadcast_in_dim3A_575 = vector.shape_cast %eq3A_573 : vector<1x1600xi1> to vector<1x1600xi1>
    %broadcast_in_dim3A_576 = vector.broadcast %broadcast_in_dim3A_575 : vector<1x1600xi1> to vector<1000x1600xi1>
    %broadcast_in_dim3A_577 = vector.shape_cast %slice3A_574 : vector<1000x1xf32> to vector<1000x1xf32>
    %broadcast_in_dim3A_578 = vector.broadcast %broadcast_in_dim3A_577 : vector<1000x1xf32> to vector<1000x1600xf32>
    %select_n3A_579 = arith.select %broadcast_in_dim3A_576, %broadcast_in_dim3A_578, %select_n3A_570 : vector<1000x1600xi1>, vector<1000x1600xf32>
    %eq3A_580 = arith.constant 60 : i32
    %eq3A_581 = vector.broadcast %eq3A_580 : i32 to vector<1x1600xi32>
    %eq3A_582 = arith.cmpi eq, %get3A_41, %eq3A_581 : vector<1x1600xi32>
    %slice3A_583 = vector.extract_strided_slice %sub3A_38 {offsets = [0, 60], sizes = [1000, 1], strides = [1, 1]} : vector<1000x80xf32> to vector<1000x1xf32>
    %broadcast_in_dim3A_584 = vector.shape_cast %eq3A_582 : vector<1x1600xi1> to vector<1x1600xi1>
    %broadcast_in_dim3A_585 = vector.broadcast %broadcast_in_dim3A_584 : vector<1x1600xi1> to vector<1000x1600xi1>
    %broadcast_in_dim3A_586 = vector.shape_cast %slice3A_583 : vector<1000x1xf32> to vector<1000x1xf32>
    %broadcast_in_dim3A_587 = vector.broadcast %broadcast_in_dim3A_586 : vector<1000x1xf32> to vector<1000x1600xf32>
    %select_n3A_588 = arith.select %broadcast_in_dim3A_585, %broadcast_in_dim3A_587, %select_n3A_579 : vector<1000x1600xi1>, vector<1000x1600xf32>
    %eq3A_589 = arith.constant 61 : i32
    %eq3A_590 = vector.broadcast %eq3A_589 : i32 to vector<1x1600xi32>
    %eq3A_591 = arith.cmpi eq, %get3A_41, %eq3A_590 : vector<1x1600xi32>
    %slice3A_592 = vector.extract_strided_slice %sub3A_38 {offsets = [0, 61], sizes = [1000, 1], strides = [1, 1]} : vector<1000x80xf32> to vector<1000x1xf32>
    %broadcast_in_dim3A_593 = vector.shape_cast %eq3A_591 : vector<1x1600xi1> to vector<1x1600xi1>
    %broadcast_in_dim3A_594 = vector.broadcast %broadcast_in_dim3A_593 : vector<1x1600xi1> to vector<1000x1600xi1>
    %broadcast_in_dim3A_595 = vector.shape_cast %slice3A_592 : vector<1000x1xf32> to vector<1000x1xf32>
    %broadcast_in_dim3A_596 = vector.broadcast %broadcast_in_dim3A_595 : vector<1000x1xf32> to vector<1000x1600xf32>
    %select_n3A_597 = arith.select %broadcast_in_dim3A_594, %broadcast_in_dim3A_596, %select_n3A_588 : vector<1000x1600xi1>, vector<1000x1600xf32>
    %eq3A_598 = arith.constant 62 : i32
    %eq3A_599 = vector.broadcast %eq3A_598 : i32 to vector<1x1600xi32>
    %eq3A_600 = arith.cmpi eq, %get3A_41, %eq3A_599 : vector<1x1600xi32>
    %slice3A_601 = vector.extract_strided_slice %sub3A_38 {offsets = [0, 62], sizes = [1000, 1], strides = [1, 1]} : vector<1000x80xf32> to vector<1000x1xf32>
    %broadcast_in_dim3A_602 = vector.shape_cast %eq3A_600 : vector<1x1600xi1> to vector<1x1600xi1>
    %broadcast_in_dim3A_603 = vector.broadcast %broadcast_in_dim3A_602 : vector<1x1600xi1> to vector<1000x1600xi1>
    %broadcast_in_dim3A_604 = vector.shape_cast %slice3A_601 : vector<1000x1xf32> to vector<1000x1xf32>
    %broadcast_in_dim3A_605 = vector.broadcast %broadcast_in_dim3A_604 : vector<1000x1xf32> to vector<1000x1600xf32>
    %select_n3A_606 = arith.select %broadcast_in_dim3A_603, %broadcast_in_dim3A_605, %select_n3A_597 : vector<1000x1600xi1>, vector<1000x1600xf32>
    %eq3A_607 = arith.constant 63 : i32
    %eq3A_608 = vector.broadcast %eq3A_607 : i32 to vector<1x1600xi32>
    %eq3A_609 = arith.cmpi eq, %get3A_41, %eq3A_608 : vector<1x1600xi32>
    %slice3A_610 = vector.extract_strided_slice %sub3A_38 {offsets = [0, 63], sizes = [1000, 1], strides = [1, 1]} : vector<1000x80xf32> to vector<1000x1xf32>
    %broadcast_in_dim3A_611 = vector.shape_cast %eq3A_609 : vector<1x1600xi1> to vector<1x1600xi1>
    %broadcast_in_dim3A_612 = vector.broadcast %broadcast_in_dim3A_611 : vector<1x1600xi1> to vector<1000x1600xi1>
    %broadcast_in_dim3A_613 = vector.shape_cast %slice3A_610 : vector<1000x1xf32> to vector<1000x1xf32>
    %broadcast_in_dim3A_614 = vector.broadcast %broadcast_in_dim3A_613 : vector<1000x1xf32> to vector<1000x1600xf32>
    %select_n3A_615 = arith.select %broadcast_in_dim3A_612, %broadcast_in_dim3A_614, %select_n3A_606 : vector<1000x1600xi1>, vector<1000x1600xf32>
    %eq3A_616 = arith.constant 64 : i32
    %eq3A_617 = vector.broadcast %eq3A_616 : i32 to vector<1x1600xi32>
    %eq3A_618 = arith.cmpi eq, %get3A_41, %eq3A_617 : vector<1x1600xi32>
    %slice3A_619 = vector.extract_strided_slice %sub3A_38 {offsets = [0, 64], sizes = [1000, 1], strides = [1, 1]} : vector<1000x80xf32> to vector<1000x1xf32>
    %broadcast_in_dim3A_620 = vector.shape_cast %eq3A_618 : vector<1x1600xi1> to vector<1x1600xi1>
    %broadcast_in_dim3A_621 = vector.broadcast %broadcast_in_dim3A_620 : vector<1x1600xi1> to vector<1000x1600xi1>
    %broadcast_in_dim3A_622 = vector.shape_cast %slice3A_619 : vector<1000x1xf32> to vector<1000x1xf32>
    %broadcast_in_dim3A_623 = vector.broadcast %broadcast_in_dim3A_622 : vector<1000x1xf32> to vector<1000x1600xf32>
    %select_n3A_624 = arith.select %broadcast_in_dim3A_621, %broadcast_in_dim3A_623, %select_n3A_615 : vector<1000x1600xi1>, vector<1000x1600xf32>
    %eq3A_625 = arith.constant 65 : i32
    %eq3A_626 = vector.broadcast %eq3A_625 : i32 to vector<1x1600xi32>
    %eq3A_627 = arith.cmpi eq, %get3A_41, %eq3A_626 : vector<1x1600xi32>
    %slice3A_628 = vector.extract_strided_slice %sub3A_38 {offsets = [0, 65], sizes = [1000, 1], strides = [1, 1]} : vector<1000x80xf32> to vector<1000x1xf32>
    %broadcast_in_dim3A_629 = vector.shape_cast %eq3A_627 : vector<1x1600xi1> to vector<1x1600xi1>
    %broadcast_in_dim3A_630 = vector.broadcast %broadcast_in_dim3A_629 : vector<1x1600xi1> to vector<1000x1600xi1>
    %broadcast_in_dim3A_631 = vector.shape_cast %slice3A_628 : vector<1000x1xf32> to vector<1000x1xf32>
    %broadcast_in_dim3A_632 = vector.broadcast %broadcast_in_dim3A_631 : vector<1000x1xf32> to vector<1000x1600xf32>
    %select_n3A_633 = arith.select %broadcast_in_dim3A_630, %broadcast_in_dim3A_632, %select_n3A_624 : vector<1000x1600xi1>, vector<1000x1600xf32>
    %eq3A_634 = arith.constant 66 : i32
    %eq3A_635 = vector.broadcast %eq3A_634 : i32 to vector<1x1600xi32>
    %eq3A_636 = arith.cmpi eq, %get3A_41, %eq3A_635 : vector<1x1600xi32>
    %slice3A_637 = vector.extract_strided_slice %sub3A_38 {offsets = [0, 66], sizes = [1000, 1], strides = [1, 1]} : vector<1000x80xf32> to vector<1000x1xf32>
    %broadcast_in_dim3A_638 = vector.shape_cast %eq3A_636 : vector<1x1600xi1> to vector<1x1600xi1>
    %broadcast_in_dim3A_639 = vector.broadcast %broadcast_in_dim3A_638 : vector<1x1600xi1> to vector<1000x1600xi1>
    %broadcast_in_dim3A_640 = vector.shape_cast %slice3A_637 : vector<1000x1xf32> to vector<1000x1xf32>
    %broadcast_in_dim3A_641 = vector.broadcast %broadcast_in_dim3A_640 : vector<1000x1xf32> to vector<1000x1600xf32>
    %select_n3A_642 = arith.select %broadcast_in_dim3A_639, %broadcast_in_dim3A_641, %select_n3A_633 : vector<1000x1600xi1>, vector<1000x1600xf32>
    %eq3A_643 = arith.constant 67 : i32
    %eq3A_644 = vector.broadcast %eq3A_643 : i32 to vector<1x1600xi32>
    %eq3A_645 = arith.cmpi eq, %get3A_41, %eq3A_644 : vector<1x1600xi32>
    %slice3A_646 = vector.extract_strided_slice %sub3A_38 {offsets = [0, 67], sizes = [1000, 1], strides = [1, 1]} : vector<1000x80xf32> to vector<1000x1xf32>
    %broadcast_in_dim3A_647 = vector.shape_cast %eq3A_645 : vector<1x1600xi1> to vector<1x1600xi1>
    %broadcast_in_dim3A_648 = vector.broadcast %broadcast_in_dim3A_647 : vector<1x1600xi1> to vector<1000x1600xi1>
    %broadcast_in_dim3A_649 = vector.shape_cast %slice3A_646 : vector<1000x1xf32> to vector<1000x1xf32>
    %broadcast_in_dim3A_650 = vector.broadcast %broadcast_in_dim3A_649 : vector<1000x1xf32> to vector<1000x1600xf32>
    %select_n3A_651 = arith.select %broadcast_in_dim3A_648, %broadcast_in_dim3A_650, %select_n3A_642 : vector<1000x1600xi1>, vector<1000x1600xf32>
    %eq3A_652 = arith.constant 68 : i32
    %eq3A_653 = vector.broadcast %eq3A_652 : i32 to vector<1x1600xi32>
    %eq3A_654 = arith.cmpi eq, %get3A_41, %eq3A_653 : vector<1x1600xi32>
    %slice3A_655 = vector.extract_strided_slice %sub3A_38 {offsets = [0, 68], sizes = [1000, 1], strides = [1, 1]} : vector<1000x80xf32> to vector<1000x1xf32>
    %broadcast_in_dim3A_656 = vector.shape_cast %eq3A_654 : vector<1x1600xi1> to vector<1x1600xi1>
    %broadcast_in_dim3A_657 = vector.broadcast %broadcast_in_dim3A_656 : vector<1x1600xi1> to vector<1000x1600xi1>
    %broadcast_in_dim3A_658 = vector.shape_cast %slice3A_655 : vector<1000x1xf32> to vector<1000x1xf32>
    %broadcast_in_dim3A_659 = vector.broadcast %broadcast_in_dim3A_658 : vector<1000x1xf32> to vector<1000x1600xf32>
    %select_n3A_660 = arith.select %broadcast_in_dim3A_657, %broadcast_in_dim3A_659, %select_n3A_651 : vector<1000x1600xi1>, vector<1000x1600xf32>
    %eq3A_661 = arith.constant 69 : i32
    %eq3A_662 = vector.broadcast %eq3A_661 : i32 to vector<1x1600xi32>
    %eq3A_663 = arith.cmpi eq, %get3A_41, %eq3A_662 : vector<1x1600xi32>
    %slice3A_664 = vector.extract_strided_slice %sub3A_38 {offsets = [0, 69], sizes = [1000, 1], strides = [1, 1]} : vector<1000x80xf32> to vector<1000x1xf32>
    %broadcast_in_dim3A_665 = vector.shape_cast %eq3A_663 : vector<1x1600xi1> to vector<1x1600xi1>
    %broadcast_in_dim3A_666 = vector.broadcast %broadcast_in_dim3A_665 : vector<1x1600xi1> to vector<1000x1600xi1>
    %broadcast_in_dim3A_667 = vector.shape_cast %slice3A_664 : vector<1000x1xf32> to vector<1000x1xf32>
    %broadcast_in_dim3A_668 = vector.broadcast %broadcast_in_dim3A_667 : vector<1000x1xf32> to vector<1000x1600xf32>
    %select_n3A_669 = arith.select %broadcast_in_dim3A_666, %broadcast_in_dim3A_668, %select_n3A_660 : vector<1000x1600xi1>, vector<1000x1600xf32>
    %eq3A_670 = arith.constant 70 : i32
    %eq3A_671 = vector.broadcast %eq3A_670 : i32 to vector<1x1600xi32>
    %eq3A_672 = arith.cmpi eq, %get3A_41, %eq3A_671 : vector<1x1600xi32>
    %slice3A_673 = vector.extract_strided_slice %sub3A_38 {offsets = [0, 70], sizes = [1000, 1], strides = [1, 1]} : vector<1000x80xf32> to vector<1000x1xf32>
    %broadcast_in_dim3A_674 = vector.shape_cast %eq3A_672 : vector<1x1600xi1> to vector<1x1600xi1>
    %broadcast_in_dim3A_675 = vector.broadcast %broadcast_in_dim3A_674 : vector<1x1600xi1> to vector<1000x1600xi1>
    %broadcast_in_dim3A_676 = vector.shape_cast %slice3A_673 : vector<1000x1xf32> to vector<1000x1xf32>
    %broadcast_in_dim3A_677 = vector.broadcast %broadcast_in_dim3A_676 : vector<1000x1xf32> to vector<1000x1600xf32>
    %select_n3A_678 = arith.select %broadcast_in_dim3A_675, %broadcast_in_dim3A_677, %select_n3A_669 : vector<1000x1600xi1>, vector<1000x1600xf32>
    %eq3A_679 = arith.constant 71 : i32
    %eq3A_680 = vector.broadcast %eq3A_679 : i32 to vector<1x1600xi32>
    %eq3A_681 = arith.cmpi eq, %get3A_41, %eq3A_680 : vector<1x1600xi32>
    %slice3A_682 = vector.extract_strided_slice %sub3A_38 {offsets = [0, 71], sizes = [1000, 1], strides = [1, 1]} : vector<1000x80xf32> to vector<1000x1xf32>
    %broadcast_in_dim3A_683 = vector.shape_cast %eq3A_681 : vector<1x1600xi1> to vector<1x1600xi1>
    %broadcast_in_dim3A_684 = vector.broadcast %broadcast_in_dim3A_683 : vector<1x1600xi1> to vector<1000x1600xi1>
    %broadcast_in_dim3A_685 = vector.shape_cast %slice3A_682 : vector<1000x1xf32> to vector<1000x1xf32>
    %broadcast_in_dim3A_686 = vector.broadcast %broadcast_in_dim3A_685 : vector<1000x1xf32> to vector<1000x1600xf32>
    %select_n3A_687 = arith.select %broadcast_in_dim3A_684, %broadcast_in_dim3A_686, %select_n3A_678 : vector<1000x1600xi1>, vector<1000x1600xf32>
    %eq3A_688 = arith.constant 72 : i32
    %eq3A_689 = vector.broadcast %eq3A_688 : i32 to vector<1x1600xi32>
    %eq3A_690 = arith.cmpi eq, %get3A_41, %eq3A_689 : vector<1x1600xi32>
    %slice3A_691 = vector.extract_strided_slice %sub3A_38 {offsets = [0, 72], sizes = [1000, 1], strides = [1, 1]} : vector<1000x80xf32> to vector<1000x1xf32>
    %broadcast_in_dim3A_692 = vector.shape_cast %eq3A_690 : vector<1x1600xi1> to vector<1x1600xi1>
    %broadcast_in_dim3A_693 = vector.broadcast %broadcast_in_dim3A_692 : vector<1x1600xi1> to vector<1000x1600xi1>
    %broadcast_in_dim3A_694 = vector.shape_cast %slice3A_691 : vector<1000x1xf32> to vector<1000x1xf32>
    %broadcast_in_dim3A_695 = vector.broadcast %broadcast_in_dim3A_694 : vector<1000x1xf32> to vector<1000x1600xf32>
    %select_n3A_696 = arith.select %broadcast_in_dim3A_693, %broadcast_in_dim3A_695, %select_n3A_687 : vector<1000x1600xi1>, vector<1000x1600xf32>
    %eq3A_697 = arith.constant 73 : i32
    %eq3A_698 = vector.broadcast %eq3A_697 : i32 to vector<1x1600xi32>
    %eq3A_699 = arith.cmpi eq, %get3A_41, %eq3A_698 : vector<1x1600xi32>
    %slice3A_700 = vector.extract_strided_slice %sub3A_38 {offsets = [0, 73], sizes = [1000, 1], strides = [1, 1]} : vector<1000x80xf32> to vector<1000x1xf32>
    %broadcast_in_dim3A_701 = vector.shape_cast %eq3A_699 : vector<1x1600xi1> to vector<1x1600xi1>
    %broadcast_in_dim3A_702 = vector.broadcast %broadcast_in_dim3A_701 : vector<1x1600xi1> to vector<1000x1600xi1>
    %broadcast_in_dim3A_703 = vector.shape_cast %slice3A_700 : vector<1000x1xf32> to vector<1000x1xf32>
    %broadcast_in_dim3A_704 = vector.broadcast %broadcast_in_dim3A_703 : vector<1000x1xf32> to vector<1000x1600xf32>
    %select_n3A_705 = arith.select %broadcast_in_dim3A_702, %broadcast_in_dim3A_704, %select_n3A_696 : vector<1000x1600xi1>, vector<1000x1600xf32>
    %eq3A_706 = arith.constant 74 : i32
    %eq3A_707 = vector.broadcast %eq3A_706 : i32 to vector<1x1600xi32>
    %eq3A_708 = arith.cmpi eq, %get3A_41, %eq3A_707 : vector<1x1600xi32>
    %slice3A_709 = vector.extract_strided_slice %sub3A_38 {offsets = [0, 74], sizes = [1000, 1], strides = [1, 1]} : vector<1000x80xf32> to vector<1000x1xf32>
    %broadcast_in_dim3A_710 = vector.shape_cast %eq3A_708 : vector<1x1600xi1> to vector<1x1600xi1>
    %broadcast_in_dim3A_711 = vector.broadcast %broadcast_in_dim3A_710 : vector<1x1600xi1> to vector<1000x1600xi1>
    %broadcast_in_dim3A_712 = vector.shape_cast %slice3A_709 : vector<1000x1xf32> to vector<1000x1xf32>
    %broadcast_in_dim3A_713 = vector.broadcast %broadcast_in_dim3A_712 : vector<1000x1xf32> to vector<1000x1600xf32>
    %select_n3A_714 = arith.select %broadcast_in_dim3A_711, %broadcast_in_dim3A_713, %select_n3A_705 : vector<1000x1600xi1>, vector<1000x1600xf32>
    %eq3A_715 = arith.constant 75 : i32
    %eq3A_716 = vector.broadcast %eq3A_715 : i32 to vector<1x1600xi32>
    %eq3A_717 = arith.cmpi eq, %get3A_41, %eq3A_716 : vector<1x1600xi32>
    %slice3A_718 = vector.extract_strided_slice %sub3A_38 {offsets = [0, 75], sizes = [1000, 1], strides = [1, 1]} : vector<1000x80xf32> to vector<1000x1xf32>
    %broadcast_in_dim3A_719 = vector.shape_cast %eq3A_717 : vector<1x1600xi1> to vector<1x1600xi1>
    %broadcast_in_dim3A_720 = vector.broadcast %broadcast_in_dim3A_719 : vector<1x1600xi1> to vector<1000x1600xi1>
    %broadcast_in_dim3A_721 = vector.shape_cast %slice3A_718 : vector<1000x1xf32> to vector<1000x1xf32>
    %broadcast_in_dim3A_722 = vector.broadcast %broadcast_in_dim3A_721 : vector<1000x1xf32> to vector<1000x1600xf32>
    %select_n3A_723 = arith.select %broadcast_in_dim3A_720, %broadcast_in_dim3A_722, %select_n3A_714 : vector<1000x1600xi1>, vector<1000x1600xf32>
    %eq3A_724 = arith.constant 76 : i32
    %eq3A_725 = vector.broadcast %eq3A_724 : i32 to vector<1x1600xi32>
    %eq3A_726 = arith.cmpi eq, %get3A_41, %eq3A_725 : vector<1x1600xi32>
    %slice3A_727 = vector.extract_strided_slice %sub3A_38 {offsets = [0, 76], sizes = [1000, 1], strides = [1, 1]} : vector<1000x80xf32> to vector<1000x1xf32>
    %broadcast_in_dim3A_728 = vector.shape_cast %eq3A_726 : vector<1x1600xi1> to vector<1x1600xi1>
    %broadcast_in_dim3A_729 = vector.broadcast %broadcast_in_dim3A_728 : vector<1x1600xi1> to vector<1000x1600xi1>
    %broadcast_in_dim3A_730 = vector.shape_cast %slice3A_727 : vector<1000x1xf32> to vector<1000x1xf32>
    %broadcast_in_dim3A_731 = vector.broadcast %broadcast_in_dim3A_730 : vector<1000x1xf32> to vector<1000x1600xf32>
    %select_n3A_732 = arith.select %broadcast_in_dim3A_729, %broadcast_in_dim3A_731, %select_n3A_723 : vector<1000x1600xi1>, vector<1000x1600xf32>
    %eq3A_733 = arith.constant 77 : i32
    %eq3A_734 = vector.broadcast %eq3A_733 : i32 to vector<1x1600xi32>
    %eq3A_735 = arith.cmpi eq, %get3A_41, %eq3A_734 : vector<1x1600xi32>
    %slice3A_736 = vector.extract_strided_slice %sub3A_38 {offsets = [0, 77], sizes = [1000, 1], strides = [1, 1]} : vector<1000x80xf32> to vector<1000x1xf32>
    %broadcast_in_dim3A_737 = vector.shape_cast %eq3A_735 : vector<1x1600xi1> to vector<1x1600xi1>
    %broadcast_in_dim3A_738 = vector.broadcast %broadcast_in_dim3A_737 : vector<1x1600xi1> to vector<1000x1600xi1>
    %broadcast_in_dim3A_739 = vector.shape_cast %slice3A_736 : vector<1000x1xf32> to vector<1000x1xf32>
    %broadcast_in_dim3A_740 = vector.broadcast %broadcast_in_dim3A_739 : vector<1000x1xf32> to vector<1000x1600xf32>
    %select_n3A_741 = arith.select %broadcast_in_dim3A_738, %broadcast_in_dim3A_740, %select_n3A_732 : vector<1000x1600xi1>, vector<1000x1600xf32>
    %eq3A_742 = arith.constant 78 : i32
    %eq3A_743 = vector.broadcast %eq3A_742 : i32 to vector<1x1600xi32>
    %eq3A_744 = arith.cmpi eq, %get3A_41, %eq3A_743 : vector<1x1600xi32>
    %slice3A_745 = vector.extract_strided_slice %sub3A_38 {offsets = [0, 78], sizes = [1000, 1], strides = [1, 1]} : vector<1000x80xf32> to vector<1000x1xf32>
    %broadcast_in_dim3A_746 = vector.shape_cast %eq3A_744 : vector<1x1600xi1> to vector<1x1600xi1>
    %broadcast_in_dim3A_747 = vector.broadcast %broadcast_in_dim3A_746 : vector<1x1600xi1> to vector<1000x1600xi1>
    %broadcast_in_dim3A_748 = vector.shape_cast %slice3A_745 : vector<1000x1xf32> to vector<1000x1xf32>
    %broadcast_in_dim3A_749 = vector.broadcast %broadcast_in_dim3A_748 : vector<1000x1xf32> to vector<1000x1600xf32>
    %select_n3A_750 = arith.select %broadcast_in_dim3A_747, %broadcast_in_dim3A_749, %select_n3A_741 : vector<1000x1600xi1>, vector<1000x1600xf32>
    %eq3A_751 = arith.constant 79 : i32
    %eq3A_752 = vector.broadcast %eq3A_751 : i32 to vector<1x1600xi32>
    %eq3A_753 = arith.cmpi eq, %get3A_41, %eq3A_752 : vector<1x1600xi32>
    %slice3A_754 = vector.extract_strided_slice %sub3A_38 {offsets = [0, 79], sizes = [1000, 1], strides = [1, 1]} : vector<1000x80xf32> to vector<1000x1xf32>
    %broadcast_in_dim3A_755 = vector.shape_cast %eq3A_753 : vector<1x1600xi1> to vector<1x1600xi1>
    %broadcast_in_dim3A_756 = vector.broadcast %broadcast_in_dim3A_755 : vector<1x1600xi1> to vector<1000x1600xi1>
    %broadcast_in_dim3A_757 = vector.shape_cast %slice3A_754 : vector<1000x1xf32> to vector<1000x1xf32>
    %broadcast_in_dim3A_758 = vector.broadcast %broadcast_in_dim3A_757 : vector<1000x1xf32> to vector<1000x1600xf32>
    %select_n3A_759 = arith.select %broadcast_in_dim3A_756, %broadcast_in_dim3A_758, %select_n3A_750 : vector<1000x1600xi1>, vector<1000x1600xf32>
    %mul3A_760 = arith.constant 2.000000e+00 : f32
    %mul3A_761 = vector.broadcast %mul3A_760 : f32 to vector<1000x1600xf32>
    %mul3A_762 = arith.mulf %mul3A_761, %select_n3A_759 : vector<1000x1600xf32>
    %swap3A = arith.constant 0 : index
    %swap3A_763 = arith.constant 0 : index
    %swap3A_764 = vector.load %arg7[%swap3A, %swap3A_763] : memref<1000x1600xf32, #tpu.memory_space<vmem>>, vector<1000x1600xf32>
    tpu.vector_store %arg7[%swap3A, %swap3A_763], %mul3A_762 {strides = array<i32>} : memref<1000x1600xf32, #tpu.memory_space<vmem>>, vector<1000x1600xf32>,
    return
  }
  func.func @transform_0(%arg0: i32) -> (i32, i32) {
    %c0_i32 = arith.constant 0 : i32
    %c0_i32_0 = arith.constant 0 : i32
    return %arg0, %c0_i32 : i32, i32
  }
  func.func @transform_1(%arg0: i32) -> (i32, i32) {
    %c0_i32 = arith.constant 0 : i32
    %c0_i32_0 = arith.constant 0 : i32
    return %arg0, %c0_i32 : i32, i32
  }
  func.func @transform_2(%arg0: i32) -> (i32, i32) {
    %c0_i32 = arith.constant 0 : i32
    %c0_i32_0 = arith.constant 0 : i32
    return %arg0, %c0_i32 : i32, i32
  }
  func.func @transform_3(%arg0: i32) -> (i32, i32) {
    %c0_i32 = arith.constant 0 : i32
    %c0_i32_0 = arith.constant 0 : i32
    %c0_i32_1 = arith.constant 0 : i32
    return %c0_i32, %c0_i32_0 : i32, i32
  }
  func.func @transform_4(%arg0: i32) -> (i32, i32) {
    %c0_i32 = arith.constant 0 : i32
    %c0_i32_0 = arith.constant 0 : i32
    %c0_i32_1 = arith.constant 0 : i32
    return %c0_i32, %c0_i32_0 : i32, i32
  }
  func.func @transform_5(%arg0: i32) -> (i32, i32) {
    %c0_i32 = arith.constant 0 : i32
    %c0_i32_0 = arith.constant 0 : i32
    %c0_i32_1 = arith.constant 0 : i32
    return %c0_i32, %c0_i32_0 : i32, i32
  }
  func.func @transform_6(%arg0: i32) -> (i32, i32) {
    %c0_i32 = arith.constant 0 : i32
    %c0_i32_0 = arith.constant 0 : i32
    return %arg0, %c0_i32 : i32, i32
  }
}

</mosaic_0001>

<sc_bundles>
// kernel: sparse-core-data-format-call.cloned.1.call-start
scs
called_computation_lowered:
.L_overlay_start_0:
0x0: {  	s2 =	sld [smem:$0x3FD9]  }
0x1: {  	s3 =	sld [smem:$0x3FFE];
	_ =	sdelay $0x1  }
0x2: {  	s1 =	srdreg.scid  }
0x3: {  	s0 =	sand.u32 $0x1, s1  }
0x4: {  	s18 =	sshll.u32 s0, $0xA;
	s2 =	sadd.s32 s3, s2  }
0x5: {  	s2 =	sadd.s32 s2, s18  }
0x6: {  	[smem:$0x3FC2] =	sst s2  }
0x7: {  	_ = 	snop  }
0x8: {  	s2 =	sld [smem:$0x3FD0];
	(tm) =	ssettm $0x1  }
0x9: {  	s19 =	sld [smem:$0x3FFB];
	_ =	sdelay $0x3  }
0xa: {  	_ =	strace s19  }
0xb: {  	s3 =	sld [smem:$0x3FFC];
	_ =	sdelay $0x3  }
0xc: {  	_ =	strace s3  }
0xd: {  	s3 =	sld [smem:$0x3FFD];
	_ =	sdelay $0x3  }
0xe: {  	_ =	strace s3  }
0xf: {  	_ =	strace $0x8FFFFFFF  }
0x10: {  	s20 =	sld [smem:$0x3FDB];
	_ =	sdelay $0x1  }
0x11: {  	s4 =	simm.s32 $_scs_section_size  }
0x12: {  	s5 =	simm.s32 $_size__tile_overlayer_lowered;
	s6 =	simm.s32 $_tile_overlayer_lowered  }
0x13: {  	s23 =	simm.s32 $0x1BFF;
	s22 =	sshll.u32 s6, $0x1;
	s3 =	sadd.s32 s4, s20  }
0x14: {  	s7 =	simm.s32 $0x0;
	s21 =	sshll.u32 s5, $0x1;
	s5 =	sadd.s32 s22, s3  }
0x15: {  	[timem:s7], [sflag:s23] =	dma.local [hbm:s5], s21  }
0x16: {  	_ =	swait.ge [sflag:s23], s21  }
0x17: {  	s4 =	ssub.s32 $0x0, s21;
	[sflag:s23] =	ssyncset.done $0x0  }
0x18: {  	[sflag:s23] =	ssyncadd.s32 s4;
	_ =	sdelay $0x1  }
0x19: {  	s24 =	simm.s32 $0x1B8B  }
0x1a: {  	_ =	swait.ge [sflag:s24], $0x1  }
0x1b: {  	[sflag:s24] =	ssyncset.done $0x0  }
0x1c: {  	s26 =	simm.s32 $0x1B8E;
	s25 =	sld [smem:$0x3FFE];
	[sflag:s24] =	ssyncadd.s32 $0xFFFFFFFF  }
0x1d: {  	s27 =	simm.s32 $execute0_lowered;
	[smem:$0x3FD2] =	sst s26  }
0x1e: {  	s5 =	sshll.u32 s27, $0x1;
	_ =	strace $0x80000046;
	[dreg:$0x1] =	wrdreg $0xFFFFFFFF  }
0x1f: {  	s28 =	simm.s32 $_size_execute0_lowered;
	s3 =	sadd.s32 s3, s5;
	[dreg:$0x0] =	wrdreg $0x0  }
0x20: {  	s5 =	sshll.u32 s28, $0x1;
	[dreg:$0x2] =	wrdreg s3  }
0x21: {  	[dreg:$0x3] =	wrdreg s5  }
0x22: {  	[dreg:$0x4] =	wrdreg $0xC0  }
0x23: {  	_ =	task [dreg:s7], $0x5FFFF  }
0x24: {  	[dreg:$0x1] =	wrdreg $0xFFFFFFFF  }
0x25: {  	[dreg:$0x0] =	wrdreg $0x60  }
0x26: {  	[dreg:$0x2] =	wrdreg s25  }
0x27: {  	[dreg:$0x3] =	wrdreg s2  }
0x28: {  	[dreg:$0x4] =	wrdreg $0x9  }
0x29: {  	_ =	task.clear_ibuf [dreg:s7], $0x5FFFF;
	_ =	strace $0x90000046  }
0x2a: {  	s29 =	simm.s32 $0x9;
	_ =	strace $0x80000048  }
0x2b: {  	_ =	swait.ge [sflag:s29], $0x1  }
0x2c: {  	[sflag:s29] =	ssyncadd.s32 $0xFFFFFFFF  }
0x2d: {  	_ =	strace $0x90000048  }
0x2e: {  	_ =	sfence  }
0x2f: {  	s30 =	sld [smem:$0x0];
	_ =	sdelay $0x2  }
0x30: {  	s31 =	sshll.u32 s1, $0xD;
	s1 =	sshrl.u32 s1, $0x2  }
0x31: {  	s3 =	sand.u32 $0x4000, s31;
	s1 =	sadd.s32 s1, s30  }
0x32: {  	s0 =	sor.u32 s3, s0;
	s1 =	sshll.u32 s1, $0x11  }
0x33: {  	s0 =	sor.u32 s1, s0  }
0x34: {  	s0 =	sadd.s32 $0x8F2B, s0  }
0x35: {  	[sflag:s0] =	ssyncadd.remote.s32 $0x1  }
0x36: {  	_ =	sfence.sel $0xFFFF  }
0x37: {  	[dreg:$0x0] =	wrdreg $0xFFFFFFFF;
	(pc) =	sbr.abs _section_cstart, $3  }
0x38: {  	[dreg:$0x1] =	wrdreg $0xFFFFFFFF  }
0x39: {  	_ =	task.clear_ibuf [dreg:s7], $0x2FFFF;
	_ =	strace $0x9FFFFFFF  }
0x3a: {  	(tm) =	ssettm $0x7FFFFFFF  }
0x3b: {  	_ =	shalt  }
tec
execute0_lowered:
.L_overlay_start_1:
0x0: {  	(tag) =	ssettag $0x1  }
0x1: {  	s0 =	rddreg [dreg:$0x0];
	_ =	strace $0x80000047;
	s6 =	stileid.u32  }
0x2: {  	s30 =	srdreg.scid;
	s1 =	simm.s32 $0x1;
	s31 =	simm.s32 $0x2  }
0x3: {  	s16 =	simm.s32 $0x0;
	s17 =	simm.s32 $0x0;
	s18 =	simm.s32 $0x0  }
.Ltmp0:
0x4: {  	s9 =	simm.s32 $0x0;
	s11 =	simm.s32 $0x0;
	(pc) =	sbr.rel .LBB1_1-.Ltmp0, $4  }
0x5: {  	s13 =	simm.s32 $0x0;
	s12 =	simm.s32 $0x0;
	s15 =	stileid.u32  }
0x6: {  	s10 =	simm.s32 $0x0;
	s7 =	sadd.s32 $0x196A00, s0;
	s0 =	sshll.u32 s30, $0x7  }
0x7: {  	[sflag:s1] =	ssyncpa.u1 $0x0;
	s8 =	sand.u32 $0x80, s0;
	[dreg:$0x3] =	wrdreg s7  }
0x8: {  	[sflag:s31] =	ssyncpa.u1 $0x0;
	s14 =	smov.u32 s8;
	[dreg:$0x4] =	wrdreg s8  }
.LBB1_14:
0x9: {  	s9 =	rddreg [dreg:$0x5]  }
0xa: {  	s11 =	rddreg [dreg:$0x7]  }
0xb: {  	s4 =	rddreg [dreg:$0x10]  }
0xc: {  	s6 =	rddreg [dreg:$0x11]  }
0xd: {  	s23 =	rddreg [dreg:$0xf]  }
0xe: {  	s13 =	rddreg [dreg:$0x9]  }
0xf: {  	s26 =	rddreg [dreg:$0x1]  }
0x10: {  	s29 =	rddreg [dreg:$0x12]  }
0x11: {  	s7 =	rddreg [dreg:$0x3]  }
0x12: {  	s8 =	rddreg [dreg:$0x4]  }
0x13: {  	s10 =	rddreg [dreg:$0x6]  }
0x14: {  	s12 =	rddreg [dreg:$0x8]  }
0x15: {  	s14 =	rddreg [dreg:$0xa]  }
0x16: {  	s15 =	rddreg [dreg:$0xb]  }
0x17: {  	s16 =	rddreg [dreg:$0xc]  }
0x18: {  	s17 =	rddreg [dreg:$0xd]  }
0x19: {  	s31 =	simm.s32 $0x1000;
	s18 =	rddreg [dreg:$0xe];
	s0 =	sshll.u32 s9, $0x9  }
0x1a: {  	s1 =	sshll.u32 s11, $0x3;
	s2 =	sshll.u32 s9, $0x7;
	p0 =	sgt.s32 s11, $0x180  }
0x1b: {  	s3 =	smov.u32 s11;
	s24 =	sand.u32 $0x78, s11;
	s25 =	smul.u32 $0x19000, s13  }
0x1c: {  	s27 =	sand.u32 $0x7, s11;
	s0 =	sand.u32 $0xFFFFF000, s0;
	s1 =	sand.u32 $0xFFFFFC00, s1  }
0x1d: {  	s20 =	sand.u32 $0x200, s2;
	s3 =	simm.s32 @!p0 $0x180;
	p0 =	sgt.s32 s9, $0x5C0  }
0x1e: {  	s2 =	sand.u32 $0x180, s2;
	s28 =	sshll.u32 s27, $0x12;
	s0 =	sadd.s32 s1, s0  }
0x1f: {  	s1 =	smov.u32 s9;
	s3 =	sadd.s32 s4, s3;
	s0 =	sor.u32 s20, s0  }
0x20: {  	s1 =	simm.s32 @!p0 $0x5C0;
	s5 =	sadd.s32 $0xFFFFFE80, s3;
	s0 =	sshrl.u32 s0, $0x9  }
0x21: {  	s3 =	ssub.s32 $0x200, s3;
	p0 =	sgt.s32 s5, $0x7F;
	s21 =	smulhi.u32 $0xA3D70B, s0  }
0x22: {  	s2 =	sor.u32 s24, s2;
	s1 =	sadd.s32 s6, s1;
	s3 =	simm.s32 @p0 $0x0  }
0x23: {  	s22 =	sadd.s32 $0xFFFFFA40, s1;
	s3 =	smul.u32 s23, s3;
	s4 =	sshrl.u32 s21, $0x2  }
0x24: {  	s1 =	ssub.s32 $0x640, s1;
	p0 =	sgt.s32 s22, $0x7F;
	s4 =	smul.u32 $0x640, s4  }
0x25: {  	s30 =	sor.u32 $0x400, s28;
	s2 =	sshrl.u32 s2, $0x3;
	s1 =	simm.s32 @p0 $0x0  }
0x26: {  	s1 =	smul.u32 s1, s3;
	s3 =	sadd.s32 s26, s25;
	s0 =	ssub.s32 s0, s4  }
0x27: {  	s6 =	stileid.u32;
	s2 =	sadd.s32 s2, s3;
	s0 =	sshll.u32 s0, $0x6  }
0x28: {  	s1 =	sand.u32 $0x3FFFFFFF, s1;
	s4 =	sor.u32 $0x8000, s29;
	s0 =	sadd.s32 s0, s2  }
0x29: {  	[hbm4b:s0+s30] =	stream.strided.scatter [tilespmem:s4], [sflag:$0x2], s1, s31, s30, $0x20;
	[tilespmem:$0x10100] =	vst v63  }
.LBB1_15:
0x2a: {  	p0 =	slt.u32 s10, $0x2  }
0x2b: {  	p1 =	sgt.s32 @!p0 s18, $0xF  }
0x2c: {  	s0 =	smov.u32 s18;
	s1 =	sshra.s32 @!p0 s18, $0x1F;
	p1 =	por !p1, p0  }
0x2d: {  	s1 =	sand.u32 @!p0 s1, s18;
	s0 =	simm.s32 @p1 $0xF  }
0x2e: {  	s3 =	smov.u32 s16;
	s0 =	ssub.s32 @!p0 s0, s1  }
0x2f: {  	p2 =	sgt.s32 @!p0 s17, $0x180;
	s2 =	sshra.s32 @!p0 s17, $0x1F;
	s1 =	sadd.s32 @!p0 $0xFFFFFFF1, s0  }
0x30: {  	p2 =	por !p2, p0;
	p1 =	sgt.s32 @!p0 s1, $0x0;
	s1 =	smov.u32 s17  }
0x31: {  	s2 =	sand.u32 @!p0 s2, s17;
	s1 =	simm.s32 @p2 $0x180;
	p2 =	sgt.s32 @!p0 s16, $0x5C0  }
0x32: {  	s0 =	ssub.s32 @!p0 $0x10, s0;
	p1 =	por !p1, p0;
	p2 =	por !p2, p0  }
0x33: {  	s1 =	ssub.s32 @!p0 s1, s2;
	s2 =	sshra.s32 @!p0 s16, $0x1F;
	s0 =	simm.s32 @!p1 $0x0  }
0x34: {  	s3 =	simm.s32 @p2 $0x5C0;
	s2 =	sand.u32 @!p0 s2, s16;
	s4 =	sadd.s32 @!p0 $0xFFFFFE80, s1  }
0x35: {  	s1 =	ssub.s32 @!p0 $0x200, s1;
	s2 =	ssub.s32 @!p0 s3, s2;
	p1 =	sgt.s32 @!p0 s4, $0x7F  }
0x36: {  	s4 =	smov.u32 s14;
	s3 =	sadd.s32 @!p0 $0xFFFFFA40, s2;
	p1 =	por !p1, p0  }
0x37: {  	s2 =	ssub.s32 @!p0 $0x640, s2;
	p2 =	sgt.s32 @!p0 s3, $0x7F;
	s1 =	simm.s32 @!p1 $0x0  }
0x38: {  	p1 =	por !p2, p0;
	s0 =	smul.u32 @!p0 s0, s1;
	s1 =	sadd.s32 $0x80, s12  }
0x39: {  	s3 =	sadd.s32 $0x100, s14;
	s2 =	simm.s32 @!p1 $0x0;
	p1 =	sgt.s32 s1, $0x63F  }
0x3a: {  	s0 =	smul.u32 @!p0 s2, s0;
	s4 =	smov.u32 @p1 s3  }
0x3b: {  	s2 =	sadd.s32 $0x10, s15;
	s3 =	smov.u32 s15;
	p2 =	sgt.s32 s4, $0x1F3  }
0x3c: {  	s10 =	sadd.s32 $0x1, s10;
	s3 =	smov.u32 @p2 s2  }
0x3d: {  	s18 =	smov.u32 s13;
	s1 =	simm.s32 @p1 $0x0;
	p1 =	sgt.s32 s3, $0xF  }
0x3e: {  	s13 =	smov.u32 s15;
	s3 =	smov.u32 @p1 s6;
	p1 =	sne.s32 s10, $0x1C  }
.Ltmp1:
0x3f: {  	s17 =	smov.u32 s11;
	s11 =	smov.u32 s14;
	(pc) =	sbr.rel @!p1 .LBB1_16-.Ltmp1, $4  }
0x40: {  	s16 =	smov.u32 s9;
	s0 =	sand.u32 @!p0 $0x3FFFFFFF, s0;
	s2 =	simm.s32 @!p0 $0x2  }
0x41: {  	s9 =	smov.u32 s12;
	s12 =	smov.u32 s1;
	_ =	swait.ge @!p0 [sflag:s2], s0  }
0x42: {  	s4 =	smov.u32 @p2 s8;
	s0 =	ssub.s32 @!p0 $0x0, s0;
	[sflag:s2] =	ssyncset.done @!p0 $0x0  }
0x43: {  	s14 =	smov.u32 s4;
	[sflag:s2] =	ssyncadd.s32 @!p0 s0;
	s15 =	smov.u32 s3  }
.LBB1_1:
0x44: {  	p0 =	sgt.u32 s10, $0x19  }
0x45: {  	s5 =	smov.u32 s12;
	s0 =	sshrl.u32 @!p0 s14, $0x3  }
0x46: {  	s1 =	sshll.u32 @!p0 s12, $0x3;
	p1 =	sgt.s32 @!p0 s15, $0xF;
	s0 =	smul.u32 @!p0 $0x3400, s0  }
0x47: {  	s2 =	sshra.s32 @!p0 s15, $0x1F;
	s3 =	sshll.u32 @!p0 s14, $0x7;
	s1 =	sand.u32 @!p0 $0xFFFFFC00, s1  }
0x48: {  	p1 =	por !p1, p0;
	s0 =	sadd.s32 @!p0 s0, s1;
	s1 =	smov.u32 s15  }
0x49: {  	s2 =	sand.u32 @!p0 s2, s15;
	s3 =	sand.u32 @!p0 $0x380, s3;
	s1 =	simm.s32 @p1 $0xF  }
0x4a: {  	p1 =	sgt.s32 @!p0 s14, $0x178;
	s0 =	sor.u32 @!p0 s3, s0;
	s1 =	ssub.s32 @!p0 s1, s2  }
0x4b: {  	s3 =	smov.u32 s14;
	p1 =	por !p1, p0;
	s2 =	sadd.s32 @!p0 $0xFFFFFFF1, s1  }
0x4c: {  	s3 =	simm.s32 @p1 $0x178;
	p1 =	sgt.s32 @!p0 s2, $0x0;
	s2 =	sshra.s32 @!p0 s14, $0x1F  }
0x4d: {  	s1 =	ssub.s32 @!p0 $0x10, s1;
	p1 =	por !p1, p0;
	s2 =	sand.u32 @!p0 s2, s14  }
0x4e: {  	s1 =	simm.s32 @!p1 $0x0;
	s2 =	ssub.s32 @!p0 s3, s2;
	p1 =	sgt.s32 @!p0 s12, $0x600  }
0x4f: {  	s3 =	smulhi.u32 @!p0 $0x4EC4EC4F, s0;
	s4 =	sadd.s32 @!p0 $0xFFFFFE88, s2;
	p1 =	por !p1, p0  }
0x50: {  	s5 =	simm.s32 @p1 $0x600;
	p1 =	sgt.s32 @!p0 s4, $0x7F;
	s4 =	sshra.s32 @!p0 s12, $0x1F  }
0x51: {  	s2 =	ssub.s32 @!p0 $0x1F8, s2;
	p1 =	por !p1, p0;
	s4 =	sand.u32 @!p0 s4, s12  }
0x52: {  	s3 =	sshrl.u32 @!p0 s3, $0x9;
	s4 =	ssub.s32 @!p0 s5, s4;
	s2 =	simm.s32 @!p1 $0x0  }
0x53: {  	s5 =	sand.u32 @!p0 $0x7F, s12;
	s1 =	smul.u32 @!p0 s1, s2;
	s2 =	sadd.s32 @!p0 $0xFFFFFA00, s4  }
0x54: {  	s0 =	sor.u32 @!p0 s5, s0;
	s5 =	smulhi.u32 @!p0 $0x820821, s3;
	p1 =	sgt.s32 @!p0 s2, $0x7F  }
0x55: {  	s4 =	ssub.s32 @!p0 $0x680, s4;
	s2 =	smulhi.u32 @!p0 $0x4EC4EC4F, s0;
	p1 =	por !p1, p0  }
0x56: {  	s5 =	smul.u32 @!p0 $0x1F8, s5;
	s4 =	simm.s32 @!p1 $0x0  }
0x57: {  	s2 =	sshrl.u32 @!p0 s2, $0x9;
	s1 =	smul.u32 @!p0 s4, s1  }
0x58: {  	s4 =	sxor.u32 @!p0 $0xFFFFFFFF, s10;
	s2 =	smul.u32 @!p0 $0x680, s2  }
0x59: {  	s3 =	ssub.s32 @!p0 s3, s5;
	s5 =	smul.u32 @!p0 $0x19980, s15;
	s4 =	sshll.u32 @!p0 s4, $0xE  }
0x5a: {  	s4 =	sand.u32 @!p0 $0x4000, s4;
	s0 =	ssub.s32 @!p0 s0, s2;
	s2 =	smul.u32 @!p0 $0xD0, s3  }
0x5b: {  	s1 =	sand.u32 @!p0 $0x3FFFFFFF, s1;
	s3 =	sadd.s32 @!p0 s7, s5;
	s5 =	sand.u32 @!p0 $0x7, s0  }
0x5c: {  	s0 =	sshrl.u32 @!p0 s0, $0x3;
	s2 =	sadd.s32 @!p0 s2, s3;
	s3 =	sshll.u32 @!p0 s5, $0x12  }
0x5d: {  	s0 =	sadd.s32 @!p0 s0, s2;
	s2 =	sor.u32 @!p0 $0x400, s3;
	s3 =	simm.s32 @!p0 $0x3400  }
0x5e: {  	[tilespmem:s4], [sflag:$0x1] =	stream.strided.gather @!p0 [hbm4b:s0+s2], s1, s3, s2, $0x38;
	[tilespmem:$0x10100] =	vst v63  }
0x5f: {  	p0 =	seq.s32 s10, $0x0  }
0x60: {  	p1 =	seq.s32 @!p0 s10, $0x1B  }
0x61: {  	p0 =	por p0, p1  }
.Ltmp2:
0x62: {  	_ = 	snop;
	(pc) =	sbr.rel @p0 .LBB1_15-.Ltmp2, $1  }
0x63: {  	_ =	sdelay $0x3  }
0x64: {  	[dreg:$0xe] =	wrdreg s18  }
0x65: {  	[dreg:$0xd] =	wrdreg s17  }
0x66: {  	[dreg:$0xc] =	wrdreg s16  }
0x67: {  	[dreg:$0xb] =	wrdreg s15  }
0x68: {  	[dreg:$0xa] =	wrdreg s14  }
0x69: {  	[dreg:$0x8] =	wrdreg s12  }
0x6a: {  	p0 =	sgt.s32 s13, $0xF;
	s0 =	smov.u32 s13;
	s1 =	sshra.s32 s13, $0x1F  }
0x6b: {  	s25 =	ssub.s32 $0x0, s11;
	s2 =	sshra.s32 s11, $0x1F;
	s3 =	smov.u32 s11  }
0x6c: {  	p1 =	sgt.s32 s9, $0x600;
	s27 =	ssub.s32 $0x0, s9;
	[dreg:$0x5] =	wrdreg s9  }
0x6d: {  	s28 =	sshra.s32 s9, $0x1F;
	s0 =	simm.s32 @!p0 $0xF;
	s1 =	sand.u32 s1, s13  }
0x6e: {  	p0 =	sgt.s32 s11, $0x178;
	s29 =	sand.u32 s27, s28;
	s0 =	ssub.s32 s0, s1  }
0x6f: {  	s1 =	sand.u32 s25, s2;
	s3 =	simm.s32 @!p0 $0x178;
	s2 =	smov.u32 s9  }
0x70: {  	s4 =	sadd.s32 $0xFFFFFFF1, s0;
	[dreg:$0x10] =	wrdreg s1;
	s1 =	sadd.s32 s1, s3  }
0x71: {  	s5 =	ssub.s32 $0x10, s0;
	s2 =	simm.s32 @!p1 $0x600;
	p0 =	sgt.s32 s4, $0x0  }
0x72: {  	s26 =	sadd.s32 $0xFFFFFE88, s1;
	s0 =	ssub.s32 $0x1F8, s1;
	s1 =	sadd.s32 s29, s2  }
0x73: {  	[dreg:$0x9] =	wrdreg s13;
	s5 =	simm.s32 @p0 $0x0;
	s2 =	sadd.s32 $0xFFFFFA00, s1  }
0x74: {  	s1 =	ssub.s32 $0x680, s1;
	p0 =	sgt.s32 s2, $0x7F;
	s2 =	sadd.s32 $0x1, s13  }
0x75: {  	s3 =	sadd.s32 $0x80, s11;
	s1 =	simm.s32 @p0 $0x0;
	p0 =	slt.s32 s2, $0x10  }
0x76: {  	p1 =	sgt.s32 s26, $0x7F;
	s2 =	simm.s32 @!p0 $0x10;
	p0 =	slt.s32 s3, $0x1F4  }
0x77: {  	s0 =	simm.s32 @p1 $0x0;
	s21 =	ssub.s32 s2, s13;
	s3 =	simm.s32 @!p0 $0x1F4  }
0x78: {  	s0 =	smul.u32 s5, s0;
	s22 =	ssub.s32 s3, s11;
	p0 =	slt.s32 s21, $0x1  }
0x79: {  	[dreg:$0x7] =	wrdreg s11;
	p1 =	slt.s32 @!p0 s22, $0x1  }
0x7a: {  	[dreg:$0x6] =	wrdreg s10;
	s0 =	smul.u32 s1, s0;
	p1 =	por p0, p1  }
.Ltmp3:
0x7b: {  	s30 =	simm.s32 $0x1;
	[dreg:$0x11] =	wrdreg s29;
	(pc) =	sbr.rel @p1 .LBB1_14-.Ltmp3, $4  }
0x7c: {  	[dreg:$0xf] =	wrdreg s5;
	s1 =	sand.u32 $0x3FFFFFFF, s0;
	s0 =	sand.u32 $0x1, s10  }
0x7d: {  	_ =	swait.ge [sflag:s30], s1;
	s31 =	smul.u32 $0x4080, s0  }
0x7e: {  	s1 =	ssub.s32 $0x0, s1;
	[sflag:s30] =	ssyncset.done $0x0  }
0x7f: {  	[sflag:s30] =	ssyncadd.s32 s1;
	[dreg:$0x12] =	wrdreg s31  }
0x80: {  	s2 =	rddreg [dreg:$0x5]  }
0x81: {  	s1 =	sadd.s32 $0x80, s2  }
0x82: {  	p1 =	slt.s32 s1, $0x640  }
.Ltmp4:
0x83: {  	s1 =	simm.s32 @!p1 $0x640;
	(pc) =	sbr.rel .LBB1_4-.Ltmp4, $4  }
0x84: {  	s25 =	sshll.u32 @!p0 s0, $0xE;
	s0 =	rddreg [dreg:$0x12];
	s1 =	ssub.s32 s1, s2  }
0x85: {  	s28 =	simm.s32 $0x0;
	s26 =	sor.u32 @!p0 $0x8000, s0;
	s1 =	sadd.s32 $0xF, s1  }
0x86: {  	s23 =	sand.u32 $0xFFFFFFF0, s1;
	s24 =	sand.u32 @!p0 $0xFFFFFF00, s1;
	s31 =	sshll.u32 s1, $0x3  }
0x87: {  	p0 =	slt.s32 s1, $0x100;
	s27 =	sand.u32 $0xFFFFF800, s31;
	p1 =	sge.s32 s24, s23  }
.LBB1_13:
0x88: {  	s28 =	sadd.s32 $0x1, s28  }
0x89: {  	p2 =	sne.s32 s28, s21  }
.Ltmp5:
0x8a: {  	_ = 	snop;
	(pc) =	sbr.rel @!p2 .LBB1_14-.Ltmp5, $1  }
0x8b: {  	_ =	sdelay $0x3  }
.LBB1_4:
.Ltmp6:
0x8c: {  	(pc) =	sbr.rel .LBB1_5-.Ltmp6, $4  }
0x8d: {  	s1 =	smul.u32 $0x10200, s28  }
0x8e: {  	s0 =	sshll.u32 s28, $0x10  }
0x8f: {  	s31 =	simm.s32 $0x400;
	s0 =	sshra.s32 s0, $0x2;
	s20 =	sshra.s32 s1, $0x2  }
0x90: {  	s29 =	sadd.s32 s0, s25;
	s0 =	simm.s32 $0x0;
	s30 =	sadd.s32 s20, s26  }
.LBB1_12:
0x91: {  	s0 =	sadd.s32 $0x1, s0  }
0x92: {  	p2 =	sne.s32 s0, s22  }
.Ltmp7:
0x93: {  	_ = 	snop;
	(pc) =	sbr.rel @!p2 .LBB1_13-.Ltmp7, $2  }
0x94: {  	_ =	sdelay $0x2  }
0x95: {  	s31 =	sadd.s32 $0x80, s31  }
.LBB1_5:
.Ltmp8:
0x96: {  	(pc) =	sbr.rel @p0 .LBB1_9-.Ltmp8, $2  }
0x97: {  	_ =	sdelay $0x2  }
0x98: {  	s2 =	sshll.u32 s0, $0x7;
	s6 =	sand.u32 $0x7F, s0  }
0x99: {  	s9 =	sshll.u32 s0, $0x3  }
0x9a: {  	s5 =	sand.u32 $0x380, s2;
	s7 =	sshrl.u32 s9, $0x7;
	s1 =	sadd.s32 $0x800, s9  }
0x9b: {  	s11 =	sadd.s32 $0x1000, s9;
	s10 =	sadd.s32 s5, s29;
	s15 =	sadd.s32 $0x1800, s9  }
0x9c: {  	s13 =	sadd.s32 $0x2800, s9;
	s19 =	sadd.s32 $0x3000, s9;
	s9 =	sadd.s32 $0x3800, s9  }
0x9d: {  	s3 =	sand.u32 $0x78, s7;
	s1 =	sshrl.u32 s1, $0x7;
	s14 =	sshrl.u32 s11, $0x7  }
0x9e: {  	s11 =	sshrl.u32 s15, $0x7;
	s4 =	smul.u32 $0x204, s3;
	s1 =	sand.u32 $0x78, s1  }
0x9f: {  	s18 =	sshrl.u32 s13, $0x7;
	s5 =	sand.u32 $0x78, s14;
	s1 =	smul.u32 $0x204, s1  }
0xa0: {  	s8 =	sshrl.u32 s19, $0x7;
	s11 =	sand.u32 $0x78, s11;
	s5 =	smul.u32 $0x204, s5  }
0xa1: {  	s9 =	sshrl.u32 s9, $0x7;
	s3 =	sxor.u32 $0x40, s3;
	s11 =	smul.u32 $0x204, s11  }
0xa2: {  	s13 =	sadd.s32 $0x10, s7;
	s9 =	sand.u32 $0x78, s9;
	s16 =	smul.u32 $0x204, s3  }
0xa3: {  	v0 =	vmov s10;
	s10 =	sand.u32 $0x3C00, s31;
	s14 =	sadd.s32 $0x20, s7;
	s9 =	smul.u32 $0x204, s9  }
0xa4: {  	s15 =	sand.u32 $0x78, s14;
	s14 =	sadd.s32 $0x60, s7;
	s4 =	sshrl.u32 s4, $0x2  }
0xa5: {  	s14 =	sand.u32 $0x78, s14;
	s4 =	sadd.s32 s4, s30;
	s1 =	sshrl.u32 s1, $0x2  }
0xa6: {  	s5 =	sshrl.u32 s5, $0x2;
	s17 =	sshrl.u32 s11, $0x2;
	s11 =	sand.u32 $0x78, s18  }
0xa7: {  	s9 =	sshrl.u32 s9, $0x2;
	s12 =	sadd.s32 s1, s30;
	s1 =	sadd.s32 s6, s4  }
0xa8: {  	s5 =	sadd.s32 s5, s30;
	s11 =	smul.u32 $0x204, s11;
	s9 =	sadd.s32 s9, s30  }
0xa9: {  	s4 =	sadd.s32 s6, s12;
	s3 =	sadd.s32 s6, s5;
	s12 =	sshrl.u32 s16, $0x2  }
0xaa: {  	s5 =	sadd.s32 s17, s30;
	s16 =	sadd.s32 $0x30, s7;
	s12 =	sadd.s32 s12, s30  }
0xab: {  	s20 =	sadd.s32 s6, s5;
	s11 =	sshrl.u32 s11, $0x2;
	s5 =	sadd.s32 s6, s12  }
0xac: {  	s12 =	sand.u32 $0x78, s8;
	s11 =	sadd.s32 s11, s30;
	s8 =	sadd.s32 $0x50, s7  }
0xad: {  	s12 =	smul.u32 $0x204, s12;
	s18 =	sadd.s32 s6, s11;
	s11 =	sand.u32 $0x78, s13  }
0xae: {  	s7 =	sadd.s32 $0x70, s7;
	s13 =	sand.u32 $0x78, s8;
	s11 =	smul.u32 $0x204, s11  }
0xaf: {  	s7 =	sand.u32 $0x78, s7;
	s13 =	smul.u32 $0x204, s13;
	s12 =	sshrl.u32 s12, $0x2  }
0xb0: {  	s17 =	sadd.s32 s6, s9;
	s7 =	smul.u32 $0x204, s7;
	s12 =	sadd.s32 s12, s30  }
0xb1: {  	s11 =	sshrl.u32 s11, $0x2;
	s19 =	sadd.s32 s6, s12;
	s12 =	smul.u32 $0x204, s15  }
0xb2: {  	s9 =	sadd.s32 s11, s30;
	s11 =	sand.u32 $0x78, s16;
	s16 =	smul.u32 $0x204, s14  }
0xb3: {  	v1 =	vld.idx.msk [tilespmem:v0+s10+$0x0 ss:$0x1], $0xffff;
	s11 =	smul.u32 $0x204, s11  }
0xb4: {  	s13 =	sshrl.u32 s13, $0x2;
	s7 =	sshrl.u32 s7, $0x2;
	s12 =	sshrl.u32 s12, $0x2  }
0xb5: {  	s16 =	sshrl.u32 s16, $0x2;
	s11 =	sshrl.u32 s11, $0x2;
	s12 =	sadd.s32 s12, s30  }
0xb6: {  	s15 =	sadd.s32 s11, s30;
	s11 =	sadd.s32 s6, s9;
	s14 =	sadd.s32 s6, s12  }
0xb7: {  	s9 =	sadd.s32 s13, s30;
	s12 =	sadd.s32 s16, s30;
	s13 =	sadd.s32 $0xFFFFFC00, s31  }
0xb8: {  	[tilespmem:s1+$0x0 ss:$0x81] =	vst.msk $0xffff, v1;
	v1 =	vld.idx.msk [tilespmem:v0+s10+$0x20 ss:$0x1], $0xffff;
	s8 =	sadd.s32 s7, s30;
	s7 =	sadd.s32 s6, s12;
	s12 =	sand.u32 $0x3C00, s13  }
0xb9: {  	v2 =	vld.idx.msk [tilespmem:v0+s12+$0x70 ss:$0x1], $0xffff  }
0xba: {  	v3 =	vld.idx.msk [tilespmem:v0+s12+$0x0 ss:$0x1], $0xffff  }
0xbb: {  	v4 =	vld.idx.msk [tilespmem:v0+s12+$0x10 ss:$0x1], $0xffff  }
0xbc: {  	v5 =	vld.idx.msk [tilespmem:v0+s12+$0x20 ss:$0x1], $0xffff  }
0xbd: {  	v6 =	vld.idx.msk [tilespmem:v0+s12+$0x30 ss:$0x1], $0xffff  }
0xbe: {  	v7 =	vld.idx.msk [tilespmem:v0+s12+$0x40 ss:$0x1], $0xffff;
	[tilespmem:s17+$0x0 ss:$0x81] =	vst.msk $0xffff, v2  }
0xbf: {  	v8 =	vld.idx.msk [tilespmem:v0+s12+$0x50 ss:$0x1], $0xffff;
	[tilespmem:s1+$0x0 ss:$0x81] =	vst.msk $0xffff, v3  }
0xc0: {  	p2 =	sgt.s32 s24, $0x100;
	v9 =	vld.idx.msk [tilespmem:v0+s12+$0x60 ss:$0x1], $0xffff;
	[tilespmem:s4+$0x0 ss:$0x81] =	vst.msk $0xffff, v4  }
.Ltmp9:
0xc1: {  	v4 =	vld.idx.msk [tilespmem:v0+s10+$0x10 ss:$0x1], $0xffff;
	[tilespmem:s3+$0x0 ss:$0x81] =	vst.msk $0xffff, v5;
	(pc) =	sbr.rel @!p2 .LBB1_8-.Ltmp9, $4  }
0xc2: {  	[tilespmem:s20+$0x0 ss:$0x81] =	vst.msk $0xffff, v6;
	v2 =	vld.idx.msk [tilespmem:v0+s10+$0x30 ss:$0x1], $0xffff  }
0xc3: {  	[tilespmem:s5+$0x0 ss:$0x81] =	vst.msk $0xffff, v7;
	v3 =	vld.idx.msk [tilespmem:v0+s10+$0x40 ss:$0x1], $0xffff  }
0xc4: {  	s15 =	sadd.s32 s6, s15;
	s16 =	sadd.s32 s6, s9;
	[tilespmem:s18+$0x0 ss:$0x81] =	vst.msk $0xffff, v8;
	v5 =	vld.idx.msk [tilespmem:v0+s10+$0x50 ss:$0x1], $0xffff  }
0xc5: {  	s9 =	sadd.s32 s6, s8;
	s13 =	simm.s32 $0x100;
	s12 =	sadd.s32 $0x800, s31;
	[tilespmem:s19+$0x0 ss:$0x81] =	vst.msk $0xffff, v9;
	v6 =	vld.idx.msk [tilespmem:v0+s10+$0x60 ss:$0x1], $0xffff  }
.LBB1_7:
0xc6: {  	s8 =	sadd.s32 $0xFFFFFC00, s12;
	s13 =	sadd.s32 $0x100, s13;
	[tilespmem:s11+$0x0 ss:$0x81] =	vst.msk $0xffff, v4;
	v4 =	vld.idx.msk [tilespmem:v0+s10+$0x70 ss:$0x1], $0xffff;
	s10 =	sand.u32 $0x3C00, s12  }
0xc7: {  	s8 =	sand.u32 $0x3C00, s8;
	v7 =	vld.idx.msk [tilespmem:v0+s10+$0x0 ss:$0x1], $0xffff;
	p2 =	slt.s32 s13, s24;
	[tilespmem:s14+$0x0 ss:$0x81] =	vst.msk $0xffff, v1  }
0xc8: {  	v1 =	vld.idx.msk [tilespmem:v0+s8+$0x70 ss:$0x1], $0xffff;
	[tilespmem:s15+$0x0 ss:$0x81] =	vst.msk $0xffff, v2  }
0xc9: {  	v2 =	vld.idx.msk [tilespmem:v0+s8+$0x0 ss:$0x1], $0xffff;
	[tilespmem:s5+$0x0 ss:$0x81] =	vst.msk $0xffff, v3  }
0xca: {  	v3 =	vld.idx.msk [tilespmem:v0+s8+$0x10 ss:$0x1], $0xffff;
	[tilespmem:s16+$0x0 ss:$0x81] =	vst.msk $0xffff, v5  }
0xcb: {  	v5 =	vld.idx.msk [tilespmem:v0+s8+$0x20 ss:$0x1], $0xffff;
	[tilespmem:s7+$0x0 ss:$0x81] =	vst.msk $0xffff, v6  }
0xcc: {  	v6 =	vld.idx.msk [tilespmem:v0+s8+$0x30 ss:$0x1], $0xffff;
	[tilespmem:s9+$0x0 ss:$0x81] =	vst.msk $0xffff, v4  }
0xcd: {  	v8 =	vld.idx.msk [tilespmem:v0+s8+$0x40 ss:$0x1], $0xffff;
	[tilespmem:s1+$0x0 ss:$0x81] =	vst.msk $0xffff, v7  }
0xce: {  	v7 =	vld.idx.msk [tilespmem:v0+s8+$0x50 ss:$0x1], $0xffff;
	[tilespmem:s17+$0x0 ss:$0x81] =	vst.msk $0xffff, v1  }
0xcf: {  	[tilespmem:s1+$0x0 ss:$0x81] =	vst.msk $0xffff, v2;
	v9 =	vld.idx.msk [tilespmem:v0+s8+$0x60 ss:$0x1], $0xffff  }
0xd0: {  	[tilespmem:s4+$0x0 ss:$0x81] =	vst.msk $0xffff, v3;
	v4 =	vld.idx.msk [tilespmem:v0+s10+$0x10 ss:$0x1], $0xffff  }
.Ltmp10:
0xd1: {  	[tilespmem:s3+$0x0 ss:$0x81] =	vst.msk $0xffff, v5;
	v1 =	vld.idx.msk [tilespmem:v0+s10+$0x20 ss:$0x1], $0xffff;
	(pc) =	sbr.rel @p2 .LBB1_7-.Ltmp10, $4  }
0xd2: {  	[tilespmem:s20+$0x0 ss:$0x81] =	vst.msk $0xffff, v6;
	v2 =	vld.idx.msk [tilespmem:v0+s10+$0x30 ss:$0x1], $0xffff  }
0xd3: {  	[tilespmem:s5+$0x0 ss:$0x81] =	vst.msk $0xffff, v8;
	v3 =	vld.idx.msk [tilespmem:v0+s10+$0x40 ss:$0x1], $0xffff  }
0xd4: {  	[tilespmem:s18+$0x0 ss:$0x81] =	vst.msk $0xffff, v7;
	v5 =	vld.idx.msk [tilespmem:v0+s10+$0x50 ss:$0x1], $0xffff  }
0xd5: {  	s12 =	sadd.s32 $0x800, s12;
	[tilespmem:s19+$0x0 ss:$0x81] =	vst.msk $0xffff, v9;
	v6 =	vld.idx.msk [tilespmem:v0+s10+$0x60 ss:$0x1], $0xffff  }
.LBB1_8:
0xd6: {  	_ =	sdelay $0x2  }
0xd7: {  	[tilespmem:s11+$0x0 ss:$0x81] =	vst.msk $0xffff, v4  }
0xd8: {  	v0 =	vld.idx.msk [tilespmem:v0+s10+$0x70 ss:$0x1], $0xffff;
	[tilespmem:s14+$0x0 ss:$0x81] =	vst.msk $0xffff, v1  }
0xd9: {  	[tilespmem:s15+$0x0 ss:$0x81] =	vst.msk $0xffff, v2  }
0xda: {  	[tilespmem:s5+$0x0 ss:$0x81] =	vst.msk $0xffff, v3  }
0xdb: {  	[tilespmem:s16+$0x0 ss:$0x81] =	vst.msk $0xffff, v5  }
0xdc: {  	[tilespmem:s7+$0x0 ss:$0x81] =	vst.msk $0xffff, v6  }
0xdd: {  	[tilespmem:s9+$0x0 ss:$0x81] =	vst.msk $0xffff, v0  }
.LBB1_9:
.Ltmp11:
0xde: {  	(pc) =	sbr.rel @p1 .LBB1_12-.Ltmp11, $1  }
0xdf: {  	_ =	sdelay $0x3  }
0xe0: {  	s3 =	sand.u32 $0x380, s2;
	s1 =	sshrl.u32 s0, $0x4;
	s4 =	sadd.s32 s6, s30  }
0xe1: {  	s5 =	smov.u32 s27;
	s6 =	smov.u32 s24;
	s3 =	sadd.s32 s3, s29  }
.LBB1_11:
0xe2: {  	s7 =	sand.u32 $0x3C00, s5  }
0xe3: {  	s7 =	sadd.s32 s2, s7  }
0xe4: {  	s7 =	sand.u32 $0x3C00, s7  }
0xe5: {  	s8 =	sand.u32 $0x70, s6;
	s19 =	sadd.s32 s6, s1;
	s7 =	sadd.s32 s7, s3  }
0xe6: {  	s6 =	sadd.s32 $0x10, s6;
	s20 =	sand.u32 $0x78, s19;
	s7 =	sadd.s32 s8, s7  }
0xe7: {  	p2 =	slt.s32 s6, s23;
	v0 =	vld [tilespmem:s7+$0x0];
	s7 =	smul.u32 $0x204, s20  }
.Ltmp12:
0xe8: {  	_ = 	snop;
	(pc) =	sbr.rel @p2 .LBB1_11-.Ltmp12, $4  }
0xe9: {  	_ = 	snop  }
0xea: {  	s7 =	sshrl.u32 s7, $0x2  }
0xeb: {  	s7 =	sadd.s32 s7, s4  }
0xec: {  	s5 =	sadd.s32 $0x80, s5;
	[tilespmem:s7+$0x0 ss:$0x81] =	vst.msk $0xffff, v0  }
.Ltmp13:
0xed: {  	_ = 	snop;
	(pc) =	sbr.rel .LBB1_12-.Ltmp13, $1  }
0xee: {  	_ =	sdelay $0x3  }
.LBB1_16:
0xef: {  	_ =	sfence.sel $0x180000  }
0xf0: {  	s0 =	simm.s32 $0x1;
	[bflag:$0x0] =	sbarrier.arrive $0xFFFF  }
0xf1: {  	s31 =	simm.s32 $0x2;
	[sflag:s0] =	ssyncpa.u1 $0x1  }
0xf2: {  	[sflag:s31] =	ssyncpa.u1 $0x1  }
0xf3: {  	_ =	strace $0x90000047  }
0xf4: {  	[bflag:$0x2] =	sbarrier.arrive $0xFFFF  }
0xf5: {  	p0 =	sne.s32 s6, $0x0;
	s0 =	rddreg [dreg:$0x2]  }
0xf6: {  	s0 =	sadd.s32 @!p0 $0x100000, s0  }
0xf7: {  	[sflag:s0] =	ssyncadd.tile.s32 @!p0 $0x1;
	_ =	shalt  }
.Lfunc_end1:
_tile_overlayer_lowered:
.L_overlay_start_2:
0xf8: {  	(tag) =	ssettag $0x2  }
0xf9: {  	s0 =	rddreg [dreg:$0x0];
	s2 =	stileid.u32  }
0xfa: {  	s1 =	rddreg [dreg:$0x1];
	p0 =	sne.s32 s2, $0x0  }
0xfb: {  	s3 =	rddreg [dreg:$0x2];
	[bflag:$0x3] =	sbarrier.arrive $0xFFFF;
	s2 =	simm.s32 @!p0 $0x1C01  }
0xfc: {  	[timem:s3], [sflag:s2] =	dma.local @!p0 [hbm:s0], s1  }
0xfd: {  	s0 =	simm.s32 @!p0 $0x1  }
0xfe: {  	_ =	swait.ge @!p0 [sflag:s0], s1  }
0xff: {  	s1 =	ssub.s32 @!p0 $0x0, s1;
	[sflag:s0] =	ssyncset.done @!p0 $0x0  }
0x100: {  	[sflag:s0] =	ssyncadd.s32 @!p0 s1  }
0x101: {  	[bflag:$0x3] =	sbarrier.arrive $0xFFFF  }
0x102: {  	_ =	shalt  }

</sc_bundles>
